<compile_context>
chip_gen: v7x
topology: tpu7x:2x2x1
jax: 0.10.2.dev20260603
libtpu: 0.0.44.dev20260713+nightly
codegen_flags: <defaults>
</compile_context>

<pallas_src>
import functools
import math

import jax
import jax.numpy as jnp
from jax import lax
from jax.experimental import pallas as pl
from jax.experimental.pallas import tpu as pltpu
from jax.experimental.pallas import tpu_sc as plsc

D = 64
L = 16
NC = 2
NS = 16
NW = NC * NS
CHUNK = 800
SUB = 80
SCALE = math.sqrt(float(D))


@functools.partial(jax.jit, static_argnums=(0,))
def _gather_scale(B, x_flat, emb):
    n_chunks = B // (NW * CHUNK)
    n2 = n_chunks // 2
    mesh = plsc.VectorSubcoreMesh(core_axis_name="c", subcore_axis_name="s")

    @functools.partial(
        pl.kernel,
        mesh=mesh,
        compiler_params=pltpu.CompilerParams(use_tc_tiling_on_sc=False),
        out_type=jax.ShapeDtypeStruct((B, D), jnp.float32),
        scratch_types=[
            pltpu.VMEM((CHUNK,), jnp.int32),
            pltpu.VMEM((CHUNK,), jnp.int32),
            pltpu.VMEM((CHUNK, D), jnp.float32),
            pltpu.VMEM((CHUNK, D), jnp.float32),
            pltpu.SemaphoreType.DMA,
            pltpu.SemaphoreType.DMA,
            pltpu.SemaphoreType.DMA,
            pltpu.SemaphoreType.DMA,
        ],
    )
    def k(idx_hbm, emb_hbm, out_hbm, idx_a, idx_b, rows_a, rows_b,
          gsem_a, gsem_b, osem_a, osem_b):
        wid = lax.axis_index("s") * NC + lax.axis_index("c")
        w_base = wid * (n_chunks * CHUNK)

        def fire_gather(idx_v, rows_v, gsem, base):
            pltpu.sync_copy(idx_hbm.at[pl.ds(base, CHUNK)], idx_v)
            for j in range(CHUNK // SUB):
                pltpu.async_copy(
                    emb_hbm.at[idx_v.at[pl.ds(j * SUB, SUB)]],
                    rows_v.at[pl.ds(j * SUB, SUB)],
                    gsem,
                )

        def drain_gather(rows_v, gsem):
            pltpu.make_async_copy(
                emb_hbm.at[pl.ds(0, CHUNK)], rows_v, gsem
            ).wait()

        def scale_rows(rows_v):
            def body(r4, c):
                r0 = pl.multiple_of(r4 * 4, 4)
                for dr in range(4):
                    for col in range(D // L):
                        sl = pl.ds(col * L, L)
                        rows_v[r0 + dr, sl] = rows_v[r0 + dr, sl] * SCALE
                return c

            lax.fori_loop(0, CHUNK // 4, body, 0)

        def fire_out(rows_v, osem, base):
            pltpu.async_copy(rows_v, out_hbm.at[pl.ds(base, CHUNK)], osem)

        def drain_out(rows_v, osem):
            pltpu.make_async_copy(
                rows_v, out_hbm.at[pl.ds(0, CHUNK)], osem
            ).wait()

        fire_gather(idx_a, rows_a, gsem_a, w_base)

        def body(g2, carry):
            eb = w_base + (2 * g2) * CHUNK
            ob = eb + CHUNK

            drain_gather(rows_a, gsem_a)
            pl.when(g2 > 0)(lambda: drain_out(rows_b, osem_b))
            fire_gather(idx_b, rows_b, gsem_b, ob)
            scale_rows(rows_a)
            fire_out(rows_a, osem_a, eb)

            drain_gather(rows_b, gsem_b)

            def refill_a():
                drain_out(rows_a, osem_a)
                fire_gather(idx_a, rows_a, gsem_a, eb + 2 * CHUNK)

            pl.when(g2 < n2 - 1)(refill_a)
            scale_rows(rows_b)
            fire_out(rows_b, osem_b, ob)
            return carry

        lax.fori_loop(0, n2, body, 0)
        drain_out(rows_a, osem_a)
        drain_out(rows_b, osem_b)

    return k(x_flat, emb)


def kernel(x, emb):
    S, T = x.shape
    B = S * T
    out = _gather_scale(B, x.reshape(B), emb)
    return out.reshape(S, T, D)

# --- scband reference (transcript-rebuilt; emitter-appended) ---
"""Pipeline reference for scband-sequence-embedding-45131516346912 (READ-ONLY COPY).

The authoritative reference and input builder live on the scoring server;
editing this copy changes nothing except your own understanding.
"""

import jax, jax.numpy as jnp
import numpy as np
import math

VOCAB = 1000000
D_MODEL = 64

def setup_inputs(seed: int = 0) -> dict:
    key = jax.random.key(seed)
    k1, k2 = jax.random.split(key)
    x = jax.random.randint(k1, (4096, 200), 0, VOCAB, dtype=jnp.int64 if jax.config.jax_enable_x64 else jnp.int32)
    emb = jax.random.normal(k2, (VOCAB, D_MODEL), dtype=jnp.float32)
    return {"x": x, "emb": emb}

def reference(x, emb):
    # gather rows from embedding table, scale by sqrt(d_model)
    out = jnp.take(emb, x, axis=0)
    return out * math.sqrt(D_MODEL)

if __name__ == "__main__":
    import jax
    _d = setup_inputs()
    print(jax.jit(kernel)(*tuple(_d.values())))

</pallas_src>

<mosaic_0001>
#map = affine_map<(d0, d1) -> (0)>
#map1 = affine_map<(d0, d1) -> (0, 0)>
module attributes {stable_mosaic.version = 14 : i64} {
  func.func @k(%arg0: i32, %arg1: i32, %arg2: memref<819200xi32, #tpu.memory_space<hbm>>, %arg3: memref<1000000x64xf32, #tpu.memory_space<hbm>>, %arg4: memref<819200x64xf32, #tpu.memory_space<hbm>>, %arg5: memref<800xi32, #tpu.memory_space<vmem>>, %arg6: memref<800xi32, #tpu.memory_space<vmem>>, %arg7: memref<800x64xf32, #tpu.memory_space<vmem>>, %arg8: memref<800x64xf32, #tpu.memory_space<vmem>>, %arg9: memref<!tpu.dma_semaphore, #tpu.memory_space<semaphore_mem>>, %arg10: memref<!tpu.dma_semaphore, #tpu.memory_space<semaphore_mem>>, %arg11: memref<!tpu.dma_semaphore, #tpu.memory_space<semaphore_mem>>, %arg12: memref<!tpu.dma_semaphore, #tpu.memory_space<semaphore_mem>>) attributes {dimension_semantics = [#tpu.dimension_semantics<core_parallel>, #tpu.dimension_semantics<subcore_parallel>], iteration_bounds = array<i64: 2, 16>, scalar_prefetch = 0 : i64, scratch_operands = 8 : i64, tpu.core_type = #tpu.core_type<sc_vector_subcore>, window_params = [{transform_indices = #map}, {transform_indices = #map1}, {transform_indices = #map1}]} {
    %mul3A = arith.constant 2 : i32
    %mul3A_0 = arith.muli %arg1, %mul3A : i32
    %add3A = arith.addi %mul3A_0, %arg0 : i32
    %mul3A_1 = arith.constant 25600 : i32
    %mul3A_2 = arith.muli %add3A, %mul3A_1 : i32
    "tpu.region"() ({
      %run_scoped3A = tpu.sem_alloc : memref<!tpu.dma_semaphore, #tpu.memory_space<semaphore_mem>>
      %dma_start3A_98 = tpu.memref_slice %arg2[%mul3A_2] : memref<819200xi32, #tpu.memory_space<hbm>> -> memref<800xi32, #tpu.memory_space<hbm>>
      %dma_start3A_99 = tpu.memref_slice %arg2[%mul3A_2] : memref<819200xi32, #tpu.memory_space<hbm>> -> memref<800xi32, #tpu.memory_space<hbm>>
      tpu.enqueue_dma source(%dma_start3A_99 : memref<800xi32, #tpu.memory_space<hbm>>) target(%arg5 : memref<800xi32, #tpu.memory_space<vmem>>) target_semaphore(%run_scoped3A : memref<!tpu.dma_semaphore, #tpu.memory_space<semaphore_mem>>)
      %dma_wait3A_100 = tpu.memref_slice %arg2[%mul3A_2] : memref<819200xi32, #tpu.memory_space<hbm>> -> memref<800xi32, #tpu.memory_space<hbm>>
      %dma_wait3A_101 = tpu.memref_slice %arg2[%mul3A_2] : memref<819200xi32, #tpu.memory_space<hbm>> -> memref<800xi32, #tpu.memory_space<hbm>>
      tpu.wait_dma2 semaphore(%run_scoped3A : memref<!tpu.dma_semaphore, #tpu.memory_space<semaphore_mem>>) src(%dma_wait3A_101 : memref<800xi32, #tpu.memory_space<hbm>>) dst(%arg5 : memref<800xi32, #tpu.memory_space<vmem>>)
      tpu.yield
    }) : () -> ()
    %dma_start3A = arith.constant 0 : i32
    %dma_start3A_3 = arith.constant 0 : i32
    %dma_start3A_4 = tpu.memref_slice %arg7[%dma_start3A, %dma_start3A_3] : memref<800x64xf32, #tpu.memory_space<vmem>> -> memref<80x64xf32, #tpu.memory_space<vmem>>
    %dma_start3A_5 = arith.constant 0 : i32
    %dma_start3A_6 = tpu.memref_slice %arg5[%dma_start3A_5] : memref<800xi32, #tpu.memory_space<vmem>> -> memref<80xi32, #tpu.memory_space<vmem>>
    %dma_start3A_7 = arith.constant 0 : i32
    %dma_start3A_8 = arith.constant 0 : i32
    %dma_start3A_9 = tpu.memref_slice %arg3[%dma_start3A_7, %dma_start3A_8] : memref<1000000x64xf32, #tpu.memory_space<hbm>> -> memref<1000000x64xf32, #tpu.memory_space<hbm>>
    tpu.enqueue_indirect_dma source(%dma_start3A_9 : memref<1000000x64xf32, #tpu.memory_space<hbm>>) target(%dma_start3A_4 : memref<80x64xf32, #tpu.memory_space<vmem>>) offsets(%dma_start3A_6 : memref<80xi32, #tpu.memory_space<vmem>>) semaphore(%arg9 : memref<!tpu.dma_semaphore, #tpu.memory_space<semaphore_mem>>)
    %dma_start3A_10 = arith.constant 80 : i32
    %dma_start3A_11 = arith.constant 0 : i32
    %dma_start3A_12 = tpu.memref_slice %arg7[%dma_start3A_10, %dma_start3A_11] : memref<800x64xf32, #tpu.memory_space<vmem>> -> memref<80x64xf32, #tpu.memory_space<vmem>>
    %dma_start3A_13 = arith.constant 80 : i32
    %dma_start3A_14 = tpu.memref_slice %arg5[%dma_start3A_13] : memref<800xi32, #tpu.memory_space<vmem>> -> memref<80xi32, #tpu.memory_space<vmem>>
    %dma_start3A_15 = arith.constant 0 : i32
    %dma_start3A_16 = arith.constant 0 : i32
    %dma_start3A_17 = tpu.memref_slice %arg3[%dma_start3A_15, %dma_start3A_16] : memref<1000000x64xf32, #tpu.memory_space<hbm>> -> memref<1000000x64xf32, #tpu.memory_space<hbm>>
    tpu.enqueue_indirect_dma source(%dma_start3A_17 : memref<1000000x64xf32, #tpu.memory_space<hbm>>) target(%dma_start3A_12 : memref<80x64xf32, #tpu.memory_space<vmem>>) offsets(%dma_start3A_14 : memref<80xi32, #tpu.memory_space<vmem>>) semaphore(%arg9 : memref<!tpu.dma_semaphore, #tpu.memory_space<semaphore_mem>>)
    %dma_start3A_18 = arith.constant 160 : i32
    %dma_start3A_19 = arith.constant 0 : i32
    %dma_start3A_20 = tpu.memref_slice %arg7[%dma_start3A_18, %dma_start3A_19] : memref<800x64xf32, #tpu.memory_space<vmem>> -> memref<80x64xf32, #tpu.memory_space<vmem>>
    %dma_start3A_21 = arith.constant 160 : i32
    %dma_start3A_22 = tpu.memref_slice %arg5[%dma_start3A_21] : memref<800xi32, #tpu.memory_space<vmem>> -> memref<80xi32, #tpu.memory_space<vmem>>
    %dma_start3A_23 = arith.constant 0 : i32
    %dma_start3A_24 = arith.constant 0 : i32
    %dma_start3A_25 = tpu.memref_slice %arg3[%dma_start3A_23, %dma_start3A_24] : memref<1000000x64xf32, #tpu.memory_space<hbm>> -> memref<1000000x64xf32, #tpu.memory_space<hbm>>
    tpu.enqueue_indirect_dma source(%dma_start3A_25 : memref<1000000x64xf32, #tpu.memory_space<hbm>>) target(%dma_start3A_20 : memref<80x64xf32, #tpu.memory_space<vmem>>) offsets(%dma_start3A_22 : memref<80xi32, #tpu.memory_space<vmem>>) semaphore(%arg9 : memref<!tpu.dma_semaphore, #tpu.memory_space<semaphore_mem>>)
    %dma_start3A_26 = arith.constant 240 : i32
    %dma_start3A_27 = arith.constant 0 : i32
    %dma_start3A_28 = tpu.memref_slice %arg7[%dma_start3A_26, %dma_start3A_27] : memref<800x64xf32, #tpu.memory_space<vmem>> -> memref<80x64xf32, #tpu.memory_space<vmem>>
    %dma_start3A_29 = arith.constant 240 : i32
    %dma_start3A_30 = tpu.memref_slice %arg5[%dma_start3A_29] : memref<800xi32, #tpu.memory_space<vmem>> -> memref<80xi32, #tpu.memory_space<vmem>>
    %dma_start3A_31 = arith.constant 0 : i32
    %dma_start3A_32 = arith.constant 0 : i32
    %dma_start3A_33 = tpu.memref_slice %arg3[%dma_start3A_31, %dma_start3A_32] : memref<1000000x64xf32, #tpu.memory_space<hbm>> -> memref<1000000x64xf32, #tpu.memory_space<hbm>>
    tpu.enqueue_indirect_dma source(%dma_start3A_33 : memref<1000000x64xf32, #tpu.memory_space<hbm>>) target(%dma_start3A_28 : memref<80x64xf32, #tpu.memory_space<vmem>>) offsets(%dma_start3A_30 : memref<80xi32, #tpu.memory_space<vmem>>) semaphore(%arg9 : memref<!tpu.dma_semaphore, #tpu.memory_space<semaphore_mem>>)
    %dma_start3A_34 = arith.constant 320 : i32
    %dma_start3A_35 = arith.constant 0 : i32
    %dma_start3A_36 = tpu.memref_slice %arg7[%dma_start3A_34, %dma_start3A_35] : memref<800x64xf32, #tpu.memory_space<vmem>> -> memref<80x64xf32, #tpu.memory_space<vmem>>
    %dma_start3A_37 = arith.constant 320 : i32
    %dma_start3A_38 = tpu.memref_slice %arg5[%dma_start3A_37] : memref<800xi32, #tpu.memory_space<vmem>> -> memref<80xi32, #tpu.memory_space<vmem>>
    %dma_start3A_39 = arith.constant 0 : i32
    %dma_start3A_40 = arith.constant 0 : i32
    %dma_start3A_41 = tpu.memref_slice %arg3[%dma_start3A_39, %dma_start3A_40] : memref<1000000x64xf32, #tpu.memory_space<hbm>> -> memref<1000000x64xf32, #tpu.memory_space<hbm>>
    tpu.enqueue_indirect_dma source(%dma_start3A_41 : memref<1000000x64xf32, #tpu.memory_space<hbm>>) target(%dma_start3A_36 : memref<80x64xf32, #tpu.memory_space<vmem>>) offsets(%dma_start3A_38 : memref<80xi32, #tpu.memory_space<vmem>>) semaphore(%arg9 : memref<!tpu.dma_semaphore, #tpu.memory_space<semaphore_mem>>)
    %dma_start3A_42 = arith.constant 400 : i32
    %dma_start3A_43 = arith.constant 0 : i32
    %dma_start3A_44 = tpu.memref_slice %arg7[%dma_start3A_42, %dma_start3A_43] : memref<800x64xf32, #tpu.memory_space<vmem>> -> memref<80x64xf32, #tpu.memory_space<vmem>>
    %dma_start3A_45 = arith.constant 400 : i32
    %dma_start3A_46 = tpu.memref_slice %arg5[%dma_start3A_45] : memref<800xi32, #tpu.memory_space<vmem>> -> memref<80xi32, #tpu.memory_space<vmem>>
    %dma_start3A_47 = arith.constant 0 : i32
    %dma_start3A_48 = arith.constant 0 : i32
    %dma_start3A_49 = tpu.memref_slice %arg3[%dma_start3A_47, %dma_start3A_48] : memref<1000000x64xf32, #tpu.memory_space<hbm>> -> memref<1000000x64xf32, #tpu.memory_space<hbm>>
    tpu.enqueue_indirect_dma source(%dma_start3A_49 : memref<1000000x64xf32, #tpu.memory_space<hbm>>) target(%dma_start3A_44 : memref<80x64xf32, #tpu.memory_space<vmem>>) offsets(%dma_start3A_46 : memref<80xi32, #tpu.memory_space<vmem>>) semaphore(%arg9 : memref<!tpu.dma_semaphore, #tpu.memory_space<semaphore_mem>>)
    %dma_start3A_50 = arith.constant 480 : i32
    %dma_start3A_51 = arith.constant 0 : i32
    %dma_start3A_52 = tpu.memref_slice %arg7[%dma_start3A_50, %dma_start3A_51] : memref<800x64xf32, #tpu.memory_space<vmem>> -> memref<80x64xf32, #tpu.memory_space<vmem>>
    %dma_start3A_53 = arith.constant 480 : i32
    %dma_start3A_54 = tpu.memref_slice %arg5[%dma_start3A_53] : memref<800xi32, #tpu.memory_space<vmem>> -> memref<80xi32, #tpu.memory_space<vmem>>
    %dma_start3A_55 = arith.constant 0 : i32
    %dma_start3A_56 = arith.constant 0 : i32
    %dma_start3A_57 = tpu.memref_slice %arg3[%dma_start3A_55, %dma_start3A_56] : memref<1000000x64xf32, #tpu.memory_space<hbm>> -> memref<1000000x64xf32, #tpu.memory_space<hbm>>
    tpu.enqueue_indirect_dma source(%dma_start3A_57 : memref<1000000x64xf32, #tpu.memory_space<hbm>>) target(%dma_start3A_52 : memref<80x64xf32, #tpu.memory_space<vmem>>) offsets(%dma_start3A_54 : memref<80xi32, #tpu.memory_space<vmem>>) semaphore(%arg9 : memref<!tpu.dma_semaphore, #tpu.memory_space<semaphore_mem>>)
    %dma_start3A_58 = arith.constant 560 : i32
    %dma_start3A_59 = arith.constant 0 : i32
    %dma_start3A_60 = tpu.memref_slice %arg7[%dma_start3A_58, %dma_start3A_59] : memref<800x64xf32, #tpu.memory_space<vmem>> -> memref<80x64xf32, #tpu.memory_space<vmem>>
    %dma_start3A_61 = arith.constant 560 : i32
    %dma_start3A_62 = tpu.memref_slice %arg5[%dma_start3A_61] : memref<800xi32, #tpu.memory_space<vmem>> -> memref<80xi32, #tpu.memory_space<vmem>>
    %dma_start3A_63 = arith.constant 0 : i32
    %dma_start3A_64 = arith.constant 0 : i32
    %dma_start3A_65 = tpu.memref_slice %arg3[%dma_start3A_63, %dma_start3A_64] : memref<1000000x64xf32, #tpu.memory_space<hbm>> -> memref<1000000x64xf32, #tpu.memory_space<hbm>>
    tpu.enqueue_indirect_dma source(%dma_start3A_65 : memref<1000000x64xf32, #tpu.memory_space<hbm>>) target(%dma_start3A_60 : memref<80x64xf32, #tpu.memory_space<vmem>>) offsets(%dma_start3A_62 : memref<80xi32, #tpu.memory_space<vmem>>) semaphore(%arg9 : memref<!tpu.dma_semaphore, #tpu.memory_space<semaphore_mem>>)
    %dma_start3A_66 = arith.constant 640 : i32
    %dma_start3A_67 = arith.constant 0 : i32
    %dma_start3A_68 = tpu.memref_slice %arg7[%dma_start3A_66, %dma_start3A_67] : memref<800x64xf32, #tpu.memory_space<vmem>> -> memref<80x64xf32, #tpu.memory_space<vmem>>
    %dma_start3A_69 = arith.constant 640 : i32
    %dma_start3A_70 = tpu.memref_slice %arg5[%dma_start3A_69] : memref<800xi32, #tpu.memory_space<vmem>> -> memref<80xi32, #tpu.memory_space<vmem>>
    %dma_start3A_71 = arith.constant 0 : i32
    %dma_start3A_72 = arith.constant 0 : i32
    %dma_start3A_73 = tpu.memref_slice %arg3[%dma_start3A_71, %dma_start3A_72] : memref<1000000x64xf32, #tpu.memory_space<hbm>> -> memref<1000000x64xf32, #tpu.memory_space<hbm>>
    tpu.enqueue_indirect_dma source(%dma_start3A_73 : memref<1000000x64xf32, #tpu.memory_space<hbm>>) target(%dma_start3A_68 : memref<80x64xf32, #tpu.memory_space<vmem>>) offsets(%dma_start3A_70 : memref<80xi32, #tpu.memory_space<vmem>>) semaphore(%arg9 : memref<!tpu.dma_semaphore, #tpu.memory_space<semaphore_mem>>)
    %dma_start3A_74 = arith.constant 720 : i32
    %dma_start3A_75 = arith.constant 0 : i32
    %dma_start3A_76 = tpu.memref_slice %arg7[%dma_start3A_74, %dma_start3A_75] : memref<800x64xf32, #tpu.memory_space<vmem>> -> memref<80x64xf32, #tpu.memory_space<vmem>>
    %dma_start3A_77 = arith.constant 720 : i32
    %dma_start3A_78 = tpu.memref_slice %arg5[%dma_start3A_77] : memref<800xi32, #tpu.memory_space<vmem>> -> memref<80xi32, #tpu.memory_space<vmem>>
    %dma_start3A_79 = arith.constant 0 : i32
    %dma_start3A_80 = arith.constant 0 : i32
    %dma_start3A_81 = tpu.memref_slice %arg3[%dma_start3A_79, %dma_start3A_80] : memref<1000000x64xf32, #tpu.memory_space<hbm>> -> memref<1000000x64xf32, #tpu.memory_space<hbm>>
    tpu.enqueue_indirect_dma source(%dma_start3A_81 : memref<1000000x64xf32, #tpu.memory_space<hbm>>) target(%dma_start3A_76 : memref<80x64xf32, #tpu.memory_space<vmem>>) offsets(%dma_start3A_78 : memref<80xi32, #tpu.memory_space<vmem>>) semaphore(%arg9 : memref<!tpu.dma_semaphore, #tpu.memory_space<semaphore_mem>>)
    %scan3A = arith.constant 0 : i32
    %scan3A_82 = arith.constant 0 : i32
    %scan3A_83 = arith.constant 16 : i32
    %scan3A_84 = arith.addi %scan3A_82, %scan3A_83 : i32
    %scan3A_85 = arith.constant 1 : i32
    scf.for %scan3A_98 = %scan3A_82 to %scan3A_84 step %scan3A_85  : i32 {
      %mul3A_99 = arith.constant 2 : i32
      %mul3A_100 = arith.muli %mul3A_99, %scan3A_98 : i32
      %mul3A_101 = arith.constant 800 : i32
      %mul3A_102 = arith.muli %mul3A_100, %mul3A_101 : i32
      %add3A_103 = arith.addi %mul3A_2, %mul3A_102 : i32
      %add3A_104 = arith.constant 800 : i32
      %add3A_105 = arith.addi %add3A_103, %add3A_104 : i32
      %dma_wait3A_106 = arith.constant 0 : i32
      %dma_wait3A_107 = arith.constant 0 : i32
      %dma_wait3A_108 = tpu.memref_slice %arg3[%dma_wait3A_106, %dma_wait3A_107] : memref<1000000x64xf32, #tpu.memory_space<hbm>> -> memref<800x64xf32, #tpu.memory_space<hbm>>
      %dma_wait3A_109 = arith.constant 0 : i32
      %dma_wait3A_110 = arith.constant 0 : i32
      %dma_wait3A_111 = tpu.memref_slice %arg3[%dma_wait3A_109, %dma_wait3A_110] : memref<1000000x64xf32, #tpu.memory_space<hbm>> -> memref<800x64xf32, #tpu.memory_space<hbm>>
      tpu.wait_dma2 semaphore(%arg9 : memref<!tpu.dma_semaphore, #tpu.memory_space<semaphore_mem>>) src(%dma_wait3A_111 : memref<800x64xf32, #tpu.memory_space<hbm>>) dst(%arg7 : memref<800x64xf32, #tpu.memory_space<vmem>>)
      %gt3A = arith.constant 0 : i32
      %gt3A_112 = arith.cmpi sgt, %scan3A_98, %gt3A : i32
      %convert_element_type3A = arith.extui %gt3A_112 : i1 to i32
      %cond3A = arith.constant 0 : i32
      %cond3A_113 = arith.cmpi ne, %convert_element_type3A, %cond3A : i32
      scf.if %cond3A_113 {
        %dma_wait3A_224 = arith.constant 0 : i32
        %dma_wait3A_225 = arith.constant 0 : i32
        %dma_wait3A_226 = tpu.memref_slice %arg4[%dma_wait3A_224, %dma_wait3A_225] : memref<819200x64xf32, #tpu.memory_space<hbm>> -> memref<800x64xf32, #tpu.memory_space<hbm>>
        %dma_wait3A_227 = arith.constant 0 : i32
        %dma_wait3A_228 = arith.constant 0 : i32
        %dma_wait3A_229 = tpu.memref_slice %arg4[%dma_wait3A_227, %dma_wait3A_228] : memref<819200x64xf32, #tpu.memory_space<hbm>> -> memref<800x64xf32, #tpu.memory_space<hbm>>
        tpu.wait_dma2 semaphore(%arg12 : memref<!tpu.dma_semaphore, #tpu.memory_space<semaphore_mem>>) src(%arg8 : memref<800x64xf32, #tpu.memory_space<vmem>>) dst(%dma_wait3A_229 : memref<800x64xf32, #tpu.memory_space<hbm>>)
      } else {
      }
      "tpu.region"() ({
        %run_scoped3A = tpu.sem_alloc : memref<!tpu.dma_semaphore, #tpu.memory_space<semaphore_mem>>
        %dma_start3A_224 = tpu.memref_slice %arg2[%add3A_105] : memref<819200xi32, #tpu.memory_space<hbm>> -> memref<800xi32, #tpu.memory_space<hbm>>
        %dma_start3A_225 = tpu.memref_slice %arg2[%add3A_105] : memref<819200xi32, #tpu.memory_space<hbm>> -> memref<800xi32, #tpu.memory_space<hbm>>
        tpu.enqueue_dma source(%dma_start3A_225 : memref<800xi32, #tpu.memory_space<hbm>>) target(%arg6 : memref<800xi32, #tpu.memory_space<vmem>>) target_semaphore(%run_scoped3A : memref<!tpu.dma_semaphore, #tpu.memory_space<semaphore_mem>>)
        %dma_wait3A_226 = tpu.memref_slice %arg2[%add3A_105] : memref<819200xi32, #tpu.memory_space<hbm>> -> memref<800xi32, #tpu.memory_space<hbm>>
        %dma_wait3A_227 = tpu.memref_slice %arg2[%add3A_105] : memref<819200xi32, #tpu.memory_space<hbm>> -> memref<800xi32, #tpu.memory_space<hbm>>
        tpu.wait_dma2 semaphore(%run_scoped3A : memref<!tpu.dma_semaphore, #tpu.memory_space<semaphore_mem>>) src(%dma_wait3A_227 : memref<800xi32, #tpu.memory_space<hbm>>) dst(%arg6 : memref<800xi32, #tpu.memory_space<vmem>>)
        tpu.yield
      }) : () -> ()
      %dma_start3A_114 = arith.constant 0 : i32
      %dma_start3A_115 = arith.constant 0 : i32
      %dma_start3A_116 = tpu.memref_slice %arg8[%dma_start3A_114, %dma_start3A_115] : memref<800x64xf32, #tpu.memory_space<vmem>> -> memref<80x64xf32, #tpu.memory_space<vmem>>
      %dma_start3A_117 = arith.constant 0 : i32
      %dma_start3A_118 = tpu.memref_slice %arg6[%dma_start3A_117] : memref<800xi32, #tpu.memory_space<vmem>> -> memref<80xi32, #tpu.memory_space<vmem>>
      %dma_start3A_119 = arith.constant 0 : i32
      %dma_start3A_120 = arith.constant 0 : i32
      %dma_start3A_121 = tpu.memref_slice %arg3[%dma_start3A_119, %dma_start3A_120] : memref<1000000x64xf32, #tpu.memory_space<hbm>> -> memref<1000000x64xf32, #tpu.memory_space<hbm>>
      tpu.enqueue_indirect_dma source(%dma_start3A_121 : memref<1000000x64xf32, #tpu.memory_space<hbm>>) target(%dma_start3A_116 : memref<80x64xf32, #tpu.memory_space<vmem>>) offsets(%dma_start3A_118 : memref<80xi32, #tpu.memory_space<vmem>>) semaphore(%arg10 : memref<!tpu.dma_semaphore, #tpu.memory_space<semaphore_mem>>)
      %dma_start3A_122 = arith.constant 80 : i32
      %dma_start3A_123 = arith.constant 0 : i32
      %dma_start3A_124 = tpu.memref_slice %arg8[%dma_start3A_122, %dma_start3A_123] : memref<800x64xf32, #tpu.memory_space<vmem>> -> memref<80x64xf32, #tpu.memory_space<vmem>>
      %dma_start3A_125 = arith.constant 80 : i32
      %dma_start3A_126 = tpu.memref_slice %arg6[%dma_start3A_125] : memref<800xi32, #tpu.memory_space<vmem>> -> memref<80xi32, #tpu.memory_space<vmem>>
      %dma_start3A_127 = arith.constant 0 : i32
      %dma_start3A_128 = arith.constant 0 : i32
      %dma_start3A_129 = tpu.memref_slice %arg3[%dma_start3A_127, %dma_start3A_128] : memref<1000000x64xf32, #tpu.memory_space<hbm>> -> memref<1000000x64xf32, #tpu.memory_space<hbm>>
      tpu.enqueue_indirect_dma source(%dma_start3A_129 : memref<1000000x64xf32, #tpu.memory_space<hbm>>) target(%dma_start3A_124 : memref<80x64xf32, #tpu.memory_space<vmem>>) offsets(%dma_start3A_126 : memref<80xi32, #tpu.memory_space<vmem>>) semaphore(%arg10 : memref<!tpu.dma_semaphore, #tpu.memory_space<semaphore_mem>>)
      %dma_start3A_130 = arith.constant 160 : i32
      %dma_start3A_131 = arith.constant 0 : i32
      %dma_start3A_132 = tpu.memref_slice %arg8[%dma_start3A_130, %dma_start3A_131] : memref<800x64xf32, #tpu.memory_space<vmem>> -> memref<80x64xf32, #tpu.memory_space<vmem>>
      %dma_start3A_133 = arith.constant 160 : i32
      %dma_start3A_134 = tpu.memref_slice %arg6[%dma_start3A_133] : memref<800xi32, #tpu.memory_space<vmem>> -> memref<80xi32, #tpu.memory_space<vmem>>
      %dma_start3A_135 = arith.constant 0 : i32
      %dma_start3A_136 = arith.constant 0 : i32
      %dma_start3A_137 = tpu.memref_slice %arg3[%dma_start3A_135, %dma_start3A_136] : memref<1000000x64xf32, #tpu.memory_space<hbm>> -> memref<1000000x64xf32, #tpu.memory_space<hbm>>
      tpu.enqueue_indirect_dma source(%dma_start3A_137 : memref<1000000x64xf32, #tpu.memory_space<hbm>>) target(%dma_start3A_132 : memref<80x64xf32, #tpu.memory_space<vmem>>) offsets(%dma_start3A_134 : memref<80xi32, #tpu.memory_space<vmem>>) semaphore(%arg10 : memref<!tpu.dma_semaphore, #tpu.memory_space<semaphore_mem>>)
      %dma_start3A_138 = arith.constant 240 : i32
      %dma_start3A_139 = arith.constant 0 : i32
      %dma_start3A_140 = tpu.memref_slice %arg8[%dma_start3A_138, %dma_start3A_139] : memref<800x64xf32, #tpu.memory_space<vmem>> -> memref<80x64xf32, #tpu.memory_space<vmem>>
      %dma_start3A_141 = arith.constant 240 : i32
      %dma_start3A_142 = tpu.memref_slice %arg6[%dma_start3A_141] : memref<800xi32, #tpu.memory_space<vmem>> -> memref<80xi32, #tpu.memory_space<vmem>>
      %dma_start3A_143 = arith.constant 0 : i32
      %dma_start3A_144 = arith.constant 0 : i32
      %dma_start3A_145 = tpu.memref_slice %arg3[%dma_start3A_143, %dma_start3A_144] : memref<1000000x64xf32, #tpu.memory_space<hbm>> -> memref<1000000x64xf32, #tpu.memory_space<hbm>>
      tpu.enqueue_indirect_dma source(%dma_start3A_145 : memref<1000000x64xf32, #tpu.memory_space<hbm>>) target(%dma_start3A_140 : memref<80x64xf32, #tpu.memory_space<vmem>>) offsets(%dma_start3A_142 : memref<80xi32, #tpu.memory_space<vmem>>) semaphore(%arg10 : memref<!tpu.dma_semaphore, #tpu.memory_space<semaphore_mem>>)
      %dma_start3A_146 = arith.constant 320 : i32
      %dma_start3A_147 = arith.constant 0 : i32
      %dma_start3A_148 = tpu.memref_slice %arg8[%dma_start3A_146, %dma_start3A_147] : memref<800x64xf32, #tpu.memory_space<vmem>> -> memref<80x64xf32, #tpu.memory_space<vmem>>
      %dma_start3A_149 = arith.constant 320 : i32
      %dma_start3A_150 = tpu.memref_slice %arg6[%dma_start3A_149] : memref<800xi32, #tpu.memory_space<vmem>> -> memref<80xi32, #tpu.memory_space<vmem>>
      %dma_start3A_151 = arith.constant 0 : i32
      %dma_start3A_152 = arith.constant 0 : i32
      %dma_start3A_153 = tpu.memref_slice %arg3[%dma_start3A_151, %dma_start3A_152] : memref<1000000x64xf32, #tpu.memory_space<hbm>> -> memref<1000000x64xf32, #tpu.memory_space<hbm>>
      tpu.enqueue_indirect_dma source(%dma_start3A_153 : memref<1000000x64xf32, #tpu.memory_space<hbm>>) target(%dma_start3A_148 : memref<80x64xf32, #tpu.memory_space<vmem>>) offsets(%dma_start3A_150 : memref<80xi32, #tpu.memory_space<vmem>>) semaphore(%arg10 : memref<!tpu.dma_semaphore, #tpu.memory_space<semaphore_mem>>)
      %dma_start3A_154 = arith.constant 400 : i32
      %dma_start3A_155 = arith.constant 0 : i32
      %dma_start3A_156 = tpu.memref_slice %arg8[%dma_start3A_154, %dma_start3A_155] : memref<800x64xf32, #tpu.memory_space<vmem>> -> memref<80x64xf32, #tpu.memory_space<vmem>>
      %dma_start3A_157 = arith.constant 400 : i32
      %dma_start3A_158 = tpu.memref_slice %arg6[%dma_start3A_157] : memref<800xi32, #tpu.memory_space<vmem>> -> memref<80xi32, #tpu.memory_space<vmem>>
      %dma_start3A_159 = arith.constant 0 : i32
      %dma_start3A_160 = arith.constant 0 : i32
      %dma_start3A_161 = tpu.memref_slice %arg3[%dma_start3A_159, %dma_start3A_160] : memref<1000000x64xf32, #tpu.memory_space<hbm>> -> memref<1000000x64xf32, #tpu.memory_space<hbm>>
      tpu.enqueue_indirect_dma source(%dma_start3A_161 : memref<1000000x64xf32, #tpu.memory_space<hbm>>) target(%dma_start3A_156 : memref<80x64xf32, #tpu.memory_space<vmem>>) offsets(%dma_start3A_158 : memref<80xi32, #tpu.memory_space<vmem>>) semaphore(%arg10 : memref<!tpu.dma_semaphore, #tpu.memory_space<semaphore_mem>>)
      %dma_start3A_162 = arith.constant 480 : i32
      %dma_start3A_163 = arith.constant 0 : i32
      %dma_start3A_164 = tpu.memref_slice %arg8[%dma_start3A_162, %dma_start3A_163] : memref<800x64xf32, #tpu.memory_space<vmem>> -> memref<80x64xf32, #tpu.memory_space<vmem>>
      %dma_start3A_165 = arith.constant 480 : i32
      %dma_start3A_166 = tpu.memref_slice %arg6[%dma_start3A_165] : memref<800xi32, #tpu.memory_space<vmem>> -> memref<80xi32, #tpu.memory_space<vmem>>
      %dma_start3A_167 = arith.constant 0 : i32
      %dma_start3A_168 = arith.constant 0 : i32
      %dma_start3A_169 = tpu.memref_slice %arg3[%dma_start3A_167, %dma_start3A_168] : memref<1000000x64xf32, #tpu.memory_space<hbm>> -> memref<1000000x64xf32, #tpu.memory_space<hbm>>
      tpu.enqueue_indirect_dma source(%dma_start3A_169 : memref<1000000x64xf32, #tpu.memory_space<hbm>>) target(%dma_start3A_164 : memref<80x64xf32, #tpu.memory_space<vmem>>) offsets(%dma_start3A_166 : memref<80xi32, #tpu.memory_space<vmem>>) semaphore(%arg10 : memref<!tpu.dma_semaphore, #tpu.memory_space<semaphore_mem>>)
      %dma_start3A_170 = arith.constant 560 : i32
      %dma_start3A_171 = arith.constant 0 : i32
      %dma_start3A_172 = tpu.memref_slice %arg8[%dma_start3A_170, %dma_start3A_171] : memref<800x64xf32, #tpu.memory_space<vmem>> -> memref<80x64xf32, #tpu.memory_space<vmem>>
      %dma_start3A_173 = arith.constant 560 : i32
      %dma_start3A_174 = tpu.memref_slice %arg6[%dma_start3A_173] : memref<800xi32, #tpu.memory_space<vmem>> -> memref<80xi32, #tpu.memory_space<vmem>>
      %dma_start3A_175 = arith.constant 0 : i32
      %dma_start3A_176 = arith.constant 0 : i32
      %dma_start3A_177 = tpu.memref_slice %arg3[%dma_start3A_175, %dma_start3A_176] : memref<1000000x64xf32, #tpu.memory_space<hbm>> -> memref<1000000x64xf32, #tpu.memory_space<hbm>>
      tpu.enqueue_indirect_dma source(%dma_start3A_177 : memref<1000000x64xf32, #tpu.memory_space<hbm>>) target(%dma_start3A_172 : memref<80x64xf32, #tpu.memory_space<vmem>>) offsets(%dma_start3A_174 : memref<80xi32, #tpu.memory_space<vmem>>) semaphore(%arg10 : memref<!tpu.dma_semaphore, #tpu.memory_space<semaphore_mem>>)
      %dma_start3A_178 = arith.constant 640 : i32
      %dma_start3A_179 = arith.constant 0 : i32
      %dma_start3A_180 = tpu.memref_slice %arg8[%dma_start3A_178, %dma_start3A_179] : memref<800x64xf32, #tpu.memory_space<vmem>> -> memref<80x64xf32, #tpu.memory_space<vmem>>
      %dma_start3A_181 = arith.constant 640 : i32
      %dma_start3A_182 = tpu.memref_slice %arg6[%dma_start3A_181] : memref<800xi32, #tpu.memory_space<vmem>> -> memref<80xi32, #tpu.memory_space<vmem>>
      %dma_start3A_183 = arith.constant 0 : i32
      %dma_start3A_184 = arith.constant 0 : i32
      %dma_start3A_185 = tpu.memref_slice %arg3[%dma_start3A_183, %dma_start3A_184] : memref<1000000x64xf32, #tpu.memory_space<hbm>> -> memref<1000000x64xf32, #tpu.memory_space<hbm>>
      tpu.enqueue_indirect_dma source(%dma_start3A_185 : memref<1000000x64xf32, #tpu.memory_space<hbm>>) target(%dma_start3A_180 : memref<80x64xf32, #tpu.memory_space<vmem>>) offsets(%dma_start3A_182 : memref<80xi32, #tpu.memory_space<vmem>>) semaphore(%arg10 : memref<!tpu.dma_semaphore, #tpu.memory_space<semaphore_mem>>)
      %dma_start3A_186 = arith.constant 720 : i32
      %dma_start3A_187 = arith.constant 0 : i32
      %dma_start3A_188 = tpu.memref_slice %arg8[%dma_start3A_186, %dma_start3A_187] : memref<800x64xf32, #tpu.memory_space<vmem>> -> memref<80x64xf32, #tpu.memory_space<vmem>>
      %dma_start3A_189 = arith.constant 720 : i32
      %dma_start3A_190 = tpu.memref_slice %arg6[%dma_start3A_189] : memref<800xi32, #tpu.memory_space<vmem>> -> memref<80xi32, #tpu.memory_space<vmem>>
      %dma_start3A_191 = arith.constant 0 : i32
      %dma_start3A_192 = arith.constant 0 : i32
      %dma_start3A_193 = tpu.memref_slice %arg3[%dma_start3A_191, %dma_start3A_192] : memref<1000000x64xf32, #tpu.memory_space<hbm>> -> memref<1000000x64xf32, #tpu.memory_space<hbm>>
      tpu.enqueue_indirect_dma source(%dma_start3A_193 : memref<1000000x64xf32, #tpu.memory_space<hbm>>) target(%dma_start3A_188 : memref<80x64xf32, #tpu.memory_space<vmem>>) offsets(%dma_start3A_190 : memref<80xi32, #tpu.memory_space<vmem>>) semaphore(%arg10 : memref<!tpu.dma_semaphore, #tpu.memory_space<semaphore_mem>>)
      %scan3A_194 = arith.constant 0 : i32
      %scan3A_195 = arith.constant 0 : i32
      %scan3A_196 = arith.constant 200 : i32
      %scan3A_197 = arith.addi %scan3A_195, %scan3A_196 : i32
      %scan3A_198 = arith.constant 1 : i32
      scf.for %scan3A_224 = %scan3A_195 to %scan3A_197 step %scan3A_198  : i32 {
        %mul3A_225 = arith.constant 4 : i32
        %mul3A_226 = arith.muli %scan3A_224, %mul3A_225 : i32
        %multiple_of3A = tpu.assume_multiple %mul3A_226, 4 : i32
        %add3A_227 = arith.constant 0 : i32
        %add3A_228 = arith.addi %multiple_of3A, %add3A_227 : i32
        %get3A = arith.index_cast %add3A_228 : i32 to index
        %get3A_229 = arith.constant 0 : index
        %get3A_230 = tpu.vector_load %arg7[%get3A, %get3A_229] {strides = array<i32>} : memref<800x64xf32, #tpu.memory_space<vmem>>, vector<1x16xf32>,
        %get3A_231 = vector.shape_cast %get3A_230 : vector<1x16xf32> to vector<16xf32>
        %mul3A_232 = arith.constant 8.000000e+00 : f32
        %mul3A_233 = vector.broadcast %mul3A_232 : f32 to vector<16xf32>
        %mul3A_234 = arith.mulf %get3A_231, %mul3A_233 : vector<16xf32>
        %add3A_235 = arith.constant 0 : i32
        %add3A_236 = arith.addi %multiple_of3A, %add3A_235 : i32
        %swap3A = arith.index_cast %add3A_236 : i32 to index
        %swap3A_237 = arith.constant 0 : index
        %swap3A_238 = tpu.vector_load %arg7[%swap3A, %swap3A_237] {strides = array<i32>} : memref<800x64xf32, #tpu.memory_space<vmem>>, vector<1x16xf32>,
        %swap3A_239 = vector.shape_cast %swap3A_238 : vector<1x16xf32> to vector<16xf32>
        %swap3A_240 = vector.shape_cast %mul3A_234 : vector<16xf32> to vector<1x16xf32>
        tpu.vector_store %arg7[%swap3A, %swap3A_237], %swap3A_240 {strides = array<i32>} : memref<800x64xf32, #tpu.memory_space<vmem>>, vector<1x16xf32>,
        %add3A_241 = arith.constant 0 : i32
        %add3A_242 = arith.addi %multiple_of3A, %add3A_241 : i32
        %get3A_243 = arith.index_cast %add3A_242 : i32 to index
        %get3A_244 = arith.constant 16 : index
        %get3A_245 = tpu.vector_load %arg7[%get3A_243, %get3A_244] {strides = array<i32>} : memref<800x64xf32, #tpu.memory_space<vmem>>, vector<1x16xf32>,
        %get3A_246 = vector.shape_cast %get3A_245 : vector<1x16xf32> to vector<16xf32>
        %mul3A_247 = arith.constant 8.000000e+00 : f32
        %mul3A_248 = vector.broadcast %mul3A_247 : f32 to vector<16xf32>
        %mul3A_249 = arith.mulf %get3A_246, %mul3A_248 : vector<16xf32>
        %add3A_250 = arith.constant 0 : i32
        %add3A_251 = arith.addi %multiple_of3A, %add3A_250 : i32
        %swap3A_252 = arith.index_cast %add3A_251 : i32 to index
        %swap3A_253 = arith.constant 16 : index
        %swap3A_254 = tpu.vector_load %arg7[%swap3A_252, %swap3A_253] {strides = array<i32>} : memref<800x64xf32, #tpu.memory_space<vmem>>, vector<1x16xf32>,
        %swap3A_255 = vector.shape_cast %swap3A_254 : vector<1x16xf32> to vector<16xf32>
        %swap3A_256 = vector.shape_cast %mul3A_249 : vector<16xf32> to vector<1x16xf32>
        tpu.vector_store %arg7[%swap3A_252, %swap3A_253], %swap3A_256 {strides = array<i32>} : memref<800x64xf32, #tpu.memory_space<vmem>>, vector<1x16xf32>,
        %add3A_257 = arith.constant 0 : i32
        %add3A_258 = arith.addi %multiple_of3A, %add3A_257 : i32
        %get3A_259 = arith.index_cast %add3A_258 : i32 to index
        %get3A_260 = arith.constant 32 : index
        %get3A_261 = tpu.vector_load %arg7[%get3A_259, %get3A_260] {strides = array<i32>} : memref<800x64xf32, #tpu.memory_space<vmem>>, vector<1x16xf32>,
        %get3A_262 = vector.shape_cast %get3A_261 : vector<1x16xf32> to vector<16xf32>
        %mul3A_263 = arith.constant 8.000000e+00 : f32
        %mul3A_264 = vector.broadcast %mul3A_263 : f32 to vector<16xf32>
        %mul3A_265 = arith.mulf %get3A_262, %mul3A_264 : vector<16xf32>
        %add3A_266 = arith.constant 0 : i32
        %add3A_267 = arith.addi %multiple_of3A, %add3A_266 : i32
        %swap3A_268 = arith.index_cast %add3A_267 : i32 to index
        %swap3A_269 = arith.constant 32 : index
        %swap3A_270 = tpu.vector_load %arg7[%swap3A_268, %swap3A_269] {strides = array<i32>} : memref<800x64xf32, #tpu.memory_space<vmem>>, vector<1x16xf32>,
        %swap3A_271 = vector.shape_cast %swap3A_270 : vector<1x16xf32> to vector<16xf32>
        %swap3A_272 = vector.shape_cast %mul3A_265 : vector<16xf32> to vector<1x16xf32>
        tpu.vector_store %arg7[%swap3A_268, %swap3A_269], %swap3A_272 {strides = array<i32>} : memref<800x64xf32, #tpu.memory_space<vmem>>, vector<1x16xf32>,
        %add3A_273 = arith.constant 0 : i32
        %add3A_274 = arith.addi %multiple_of3A, %add3A_273 : i32
        %get3A_275 = arith.index_cast %add3A_274 : i32 to index
        %get3A_276 = arith.constant 48 : index
        %get3A_277 = tpu.vector_load %arg7[%get3A_275, %get3A_276] {strides = array<i32>} : memref<800x64xf32, #tpu.memory_space<vmem>>, vector<1x16xf32>,
        %get3A_278 = vector.shape_cast %get3A_277 : vector<1x16xf32> to vector<16xf32>
        %mul3A_279 = arith.constant 8.000000e+00 : f32
        %mul3A_280 = vector.broadcast %mul3A_279 : f32 to vector<16xf32>
        %mul3A_281 = arith.mulf %get3A_278, %mul3A_280 : vector<16xf32>
        %add3A_282 = arith.constant 0 : i32
        %add3A_283 = arith.addi %multiple_of3A, %add3A_282 : i32
        %swap3A_284 = arith.index_cast %add3A_283 : i32 to index
        %swap3A_285 = arith.constant 48 : index
        %swap3A_286 = tpu.vector_load %arg7[%swap3A_284, %swap3A_285] {strides = array<i32>} : memref<800x64xf32, #tpu.memory_space<vmem>>, vector<1x16xf32>,
        %swap3A_287 = vector.shape_cast %swap3A_286 : vector<1x16xf32> to vector<16xf32>
        %swap3A_288 = vector.shape_cast %mul3A_281 : vector<16xf32> to vector<1x16xf32>
        tpu.vector_store %arg7[%swap3A_284, %swap3A_285], %swap3A_288 {strides = array<i32>} : memref<800x64xf32, #tpu.memory_space<vmem>>, vector<1x16xf32>,
        %add3A_289 = arith.constant 1 : i32
        %add3A_290 = arith.addi %multiple_of3A, %add3A_289 : i32
        %get3A_291 = arith.index_cast %add3A_290 : i32 to index
        %get3A_292 = arith.constant 0 : index
        %get3A_293 = tpu.vector_load %arg7[%get3A_291, %get3A_292] {strides = array<i32>} : memref<800x64xf32, #tpu.memory_space<vmem>>, vector<1x16xf32>,
        %get3A_294 = vector.shape_cast %get3A_293 : vector<1x16xf32> to vector<16xf32>
        %mul3A_295 = arith.constant 8.000000e+00 : f32
        %mul3A_296 = vector.broadcast %mul3A_295 : f32 to vector<16xf32>
        %mul3A_297 = arith.mulf %get3A_294, %mul3A_296 : vector<16xf32>
        %add3A_298 = arith.constant 1 : i32
        %add3A_299 = arith.addi %multiple_of3A, %add3A_298 : i32
        %swap3A_300 = arith.index_cast %add3A_299 : i32 to index
        %swap3A_301 = arith.constant 0 : index
        %swap3A_302 = tpu.vector_load %arg7[%swap3A_300, %swap3A_301] {strides = array<i32>} : memref<800x64xf32, #tpu.memory_space<vmem>>, vector<1x16xf32>,
        %swap3A_303 = vector.shape_cast %swap3A_302 : vector<1x16xf32> to vector<16xf32>
        %swap3A_304 = vector.shape_cast %mul3A_297 : vector<16xf32> to vector<1x16xf32>
        tpu.vector_store %arg7[%swap3A_300, %swap3A_301], %swap3A_304 {strides = array<i32>} : memref<800x64xf32, #tpu.memory_space<vmem>>, vector<1x16xf32>,
        %add3A_305 = arith.constant 1 : i32
        %add3A_306 = arith.addi %multiple_of3A, %add3A_305 : i32
        %get3A_307 = arith.index_cast %add3A_306 : i32 to index
        %get3A_308 = arith.constant 16 : index
        %get3A_309 = tpu.vector_load %arg7[%get3A_307, %get3A_308] {strides = array<i32>} : memref<800x64xf32, #tpu.memory_space<vmem>>, vector<1x16xf32>,
        %get3A_310 = vector.shape_cast %get3A_309 : vector<1x16xf32> to vector<16xf32>
        %mul3A_311 = arith.constant 8.000000e+00 : f32
        %mul3A_312 = vector.broadcast %mul3A_311 : f32 to vector<16xf32>
        %mul3A_313 = arith.mulf %get3A_310, %mul3A_312 : vector<16xf32>
        %add3A_314 = arith.constant 1 : i32
        %add3A_315 = arith.addi %multiple_of3A, %add3A_314 : i32
        %swap3A_316 = arith.index_cast %add3A_315 : i32 to index
        %swap3A_317 = arith.constant 16 : index
        %swap3A_318 = tpu.vector_load %arg7[%swap3A_316, %swap3A_317] {strides = array<i32>} : memref<800x64xf32, #tpu.memory_space<vmem>>, vector<1x16xf32>,
        %swap3A_319 = vector.shape_cast %swap3A_318 : vector<1x16xf32> to vector<16xf32>
        %swap3A_320 = vector.shape_cast %mul3A_313 : vector<16xf32> to vector<1x16xf32>
        tpu.vector_store %arg7[%swap3A_316, %swap3A_317], %swap3A_320 {strides = array<i32>} : memref<800x64xf32, #tpu.memory_space<vmem>>, vector<1x16xf32>,
        %add3A_321 = arith.constant 1 : i32
        %add3A_322 = arith.addi %multiple_of3A, %add3A_321 : i32
        %get3A_323 = arith.index_cast %add3A_322 : i32 to index
        %get3A_324 = arith.constant 32 : index
        %get3A_325 = tpu.vector_load %arg7[%get3A_323, %get3A_324] {strides = array<i32>} : memref<800x64xf32, #tpu.memory_space<vmem>>, vector<1x16xf32>,
        %get3A_326 = vector.shape_cast %get3A_325 : vector<1x16xf32> to vector<16xf32>
        %mul3A_327 = arith.constant 8.000000e+00 : f32
        %mul3A_328 = vector.broadcast %mul3A_327 : f32 to vector<16xf32>
        %mul3A_329 = arith.mulf %get3A_326, %mul3A_328 : vector<16xf32>
        %add3A_330 = arith.constant 1 : i32
        %add3A_331 = arith.addi %multiple_of3A, %add3A_330 : i32
        %swap3A_332 = arith.index_cast %add3A_331 : i32 to index
        %swap3A_333 = arith.constant 32 : index
        %swap3A_334 = tpu.vector_load %arg7[%swap3A_332, %swap3A_333] {strides = array<i32>} : memref<800x64xf32, #tpu.memory_space<vmem>>, vector<1x16xf32>,
        %swap3A_335 = vector.shape_cast %swap3A_334 : vector<1x16xf32> to vector<16xf32>
        %swap3A_336 = vector.shape_cast %mul3A_329 : vector<16xf32> to vector<1x16xf32>
        tpu.vector_store %arg7[%swap3A_332, %swap3A_333], %swap3A_336 {strides = array<i32>} : memref<800x64xf32, #tpu.memory_space<vmem>>, vector<1x16xf32>,
        %add3A_337 = arith.constant 1 : i32
        %add3A_338 = arith.addi %multiple_of3A, %add3A_337 : i32
        %get3A_339 = arith.index_cast %add3A_338 : i32 to index
        %get3A_340 = arith.constant 48 : index
        %get3A_341 = tpu.vector_load %arg7[%get3A_339, %get3A_340] {strides = array<i32>} : memref<800x64xf32, #tpu.memory_space<vmem>>, vector<1x16xf32>,
        %get3A_342 = vector.shape_cast %get3A_341 : vector<1x16xf32> to vector<16xf32>
        %mul3A_343 = arith.constant 8.000000e+00 : f32
        %mul3A_344 = vector.broadcast %mul3A_343 : f32 to vector<16xf32>
        %mul3A_345 = arith.mulf %get3A_342, %mul3A_344 : vector<16xf32>
        %add3A_346 = arith.constant 1 : i32
        %add3A_347 = arith.addi %multiple_of3A, %add3A_346 : i32
        %swap3A_348 = arith.index_cast %add3A_347 : i32 to index
        %swap3A_349 = arith.constant 48 : index
        %swap3A_350 = tpu.vector_load %arg7[%swap3A_348, %swap3A_349] {strides = array<i32>} : memref<800x64xf32, #tpu.memory_space<vmem>>, vector<1x16xf32>,
        %swap3A_351 = vector.shape_cast %swap3A_350 : vector<1x16xf32> to vector<16xf32>
        %swap3A_352 = vector.shape_cast %mul3A_345 : vector<16xf32> to vector<1x16xf32>
        tpu.vector_store %arg7[%swap3A_348, %swap3A_349], %swap3A_352 {strides = array<i32>} : memref<800x64xf32, #tpu.memory_space<vmem>>, vector<1x16xf32>,
        %add3A_353 = arith.constant 2 : i32
        %add3A_354 = arith.addi %multiple_of3A, %add3A_353 : i32
        %get3A_355 = arith.index_cast %add3A_354 : i32 to index
        %get3A_356 = arith.constant 0 : index
        %get3A_357 = tpu.vector_load %arg7[%get3A_355, %get3A_356] {strides = array<i32>} : memref<800x64xf32, #tpu.memory_space<vmem>>, vector<1x16xf32>,
        %get3A_358 = vector.shape_cast %get3A_357 : vector<1x16xf32> to vector<16xf32>
        %mul3A_359 = arith.constant 8.000000e+00 : f32
        %mul3A_360 = vector.broadcast %mul3A_359 : f32 to vector<16xf32>
        %mul3A_361 = arith.mulf %get3A_358, %mul3A_360 : vector<16xf32>
        %add3A_362 = arith.constant 2 : i32
        %add3A_363 = arith.addi %multiple_of3A, %add3A_362 : i32
        %swap3A_364 = arith.index_cast %add3A_363 : i32 to index
        %swap3A_365 = arith.constant 0 : index
        %swap3A_366 = tpu.vector_load %arg7[%swap3A_364, %swap3A_365] {strides = array<i32>} : memref<800x64xf32, #tpu.memory_space<vmem>>, vector<1x16xf32>,
        %swap3A_367 = vector.shape_cast %swap3A_366 : vector<1x16xf32> to vector<16xf32>
        %swap3A_368 = vector.shape_cast %mul3A_361 : vector<16xf32> to vector<1x16xf32>
        tpu.vector_store %arg7[%swap3A_364, %swap3A_365], %swap3A_368 {strides = array<i32>} : memref<800x64xf32, #tpu.memory_space<vmem>>, vector<1x16xf32>,
        %add3A_369 = arith.constant 2 : i32
        %add3A_370 = arith.addi %multiple_of3A, %add3A_369 : i32
        %get3A_371 = arith.index_cast %add3A_370 : i32 to index
        %get3A_372 = arith.constant 16 : index
        %get3A_373 = tpu.vector_load %arg7[%get3A_371, %get3A_372] {strides = array<i32>} : memref<800x64xf32, #tpu.memory_space<vmem>>, vector<1x16xf32>,
        %get3A_374 = vector.shape_cast %get3A_373 : vector<1x16xf32> to vector<16xf32>
        %mul3A_375 = arith.constant 8.000000e+00 : f32
        %mul3A_376 = vector.broadcast %mul3A_375 : f32 to vector<16xf32>
        %mul3A_377 = arith.mulf %get3A_374, %mul3A_376 : vector<16xf32>
        %add3A_378 = arith.constant 2 : i32
        %add3A_379 = arith.addi %multiple_of3A, %add3A_378 : i32
        %swap3A_380 = arith.index_cast %add3A_379 : i32 to index
        %swap3A_381 = arith.constant 16 : index
        %swap3A_382 = tpu.vector_load %arg7[%swap3A_380, %swap3A_381] {strides = array<i32>} : memref<800x64xf32, #tpu.memory_space<vmem>>, vector<1x16xf32>,
        %swap3A_383 = vector.shape_cast %swap3A_382 : vector<1x16xf32> to vector<16xf32>
        %swap3A_384 = vector.shape_cast %mul3A_377 : vector<16xf32> to vector<1x16xf32>
        tpu.vector_store %arg7[%swap3A_380, %swap3A_381], %swap3A_384 {strides = array<i32>} : memref<800x64xf32, #tpu.memory_space<vmem>>, vector<1x16xf32>,
        %add3A_385 = arith.constant 2 : i32
        %add3A_386 = arith.addi %multiple_of3A, %add3A_385 : i32
        %get3A_387 = arith.index_cast %add3A_386 : i32 to index
        %get3A_388 = arith.constant 32 : index
        %get3A_389 = tpu.vector_load %arg7[%get3A_387, %get3A_388] {strides = array<i32>} : memref<800x64xf32, #tpu.memory_space<vmem>>, vector<1x16xf32>,
        %get3A_390 = vector.shape_cast %get3A_389 : vector<1x16xf32> to vector<16xf32>
        %mul3A_391 = arith.constant 8.000000e+00 : f32
        %mul3A_392 = vector.broadcast %mul3A_391 : f32 to vector<16xf32>
        %mul3A_393 = arith.mulf %get3A_390, %mul3A_392 : vector<16xf32>
        %add3A_394 = arith.constant 2 : i32
        %add3A_395 = arith.addi %multiple_of3A, %add3A_394 : i32
        %swap3A_396 = arith.index_cast %add3A_395 : i32 to index
        %swap3A_397 = arith.constant 32 : index
        %swap3A_398 = tpu.vector_load %arg7[%swap3A_396, %swap3A_397] {strides = array<i32>} : memref<800x64xf32, #tpu.memory_space<vmem>>, vector<1x16xf32>,
        %swap3A_399 = vector.shape_cast %swap3A_398 : vector<1x16xf32> to vector<16xf32>
        %swap3A_400 = vector.shape_cast %mul3A_393 : vector<16xf32> to vector<1x16xf32>
        tpu.vector_store %arg7[%swap3A_396, %swap3A_397], %swap3A_400 {strides = array<i32>} : memref<800x64xf32, #tpu.memory_space<vmem>>, vector<1x16xf32>,
        %add3A_401 = arith.constant 2 : i32
        %add3A_402 = arith.addi %multiple_of3A, %add3A_401 : i32
        %get3A_403 = arith.index_cast %add3A_402 : i32 to index
        %get3A_404 = arith.constant 48 : index
        %get3A_405 = tpu.vector_load %arg7[%get3A_403, %get3A_404] {strides = array<i32>} : memref<800x64xf32, #tpu.memory_space<vmem>>, vector<1x16xf32>,
        %get3A_406 = vector.shape_cast %get3A_405 : vector<1x16xf32> to vector<16xf32>
        %mul3A_407 = arith.constant 8.000000e+00 : f32
        %mul3A_408 = vector.broadcast %mul3A_407 : f32 to vector<16xf32>
        %mul3A_409 = arith.mulf %get3A_406, %mul3A_408 : vector<16xf32>
        %add3A_410 = arith.constant 2 : i32
        %add3A_411 = arith.addi %multiple_of3A, %add3A_410 : i32
        %swap3A_412 = arith.index_cast %add3A_411 : i32 to index
        %swap3A_413 = arith.constant 48 : index
        %swap3A_414 = tpu.vector_load %arg7[%swap3A_412, %swap3A_413] {strides = array<i32>} : memref<800x64xf32, #tpu.memory_space<vmem>>, vector<1x16xf32>,
        %swap3A_415 = vector.shape_cast %swap3A_414 : vector<1x16xf32> to vector<16xf32>
        %swap3A_416 = vector.shape_cast %mul3A_409 : vector<16xf32> to vector<1x16xf32>
        tpu.vector_store %arg7[%swap3A_412, %swap3A_413], %swap3A_416 {strides = array<i32>} : memref<800x64xf32, #tpu.memory_space<vmem>>, vector<1x16xf32>,
        %add3A_417 = arith.constant 3 : i32
        %add3A_418 = arith.addi %multiple_of3A, %add3A_417 : i32
        %get3A_419 = arith.index_cast %add3A_418 : i32 to index
        %get3A_420 = arith.constant 0 : index
        %get3A_421 = tpu.vector_load %arg7[%get3A_419, %get3A_420] {strides = array<i32>} : memref<800x64xf32, #tpu.memory_space<vmem>>, vector<1x16xf32>,
        %get3A_422 = vector.shape_cast %get3A_421 : vector<1x16xf32> to vector<16xf32>
        %mul3A_423 = arith.constant 8.000000e+00 : f32
        %mul3A_424 = vector.broadcast %mul3A_423 : f32 to vector<16xf32>
        %mul3A_425 = arith.mulf %get3A_422, %mul3A_424 : vector<16xf32>
        %add3A_426 = arith.constant 3 : i32
        %add3A_427 = arith.addi %multiple_of3A, %add3A_426 : i32
        %swap3A_428 = arith.index_cast %add3A_427 : i32 to index
        %swap3A_429 = arith.constant 0 : index
        %swap3A_430 = tpu.vector_load %arg7[%swap3A_428, %swap3A_429] {strides = array<i32>} : memref<800x64xf32, #tpu.memory_space<vmem>>, vector<1x16xf32>,
        %swap3A_431 = vector.shape_cast %swap3A_430 : vector<1x16xf32> to vector<16xf32>
        %swap3A_432 = vector.shape_cast %mul3A_425 : vector<16xf32> to vector<1x16xf32>
        tpu.vector_store %arg7[%swap3A_428, %swap3A_429], %swap3A_432 {strides = array<i32>} : memref<800x64xf32, #tpu.memory_space<vmem>>, vector<1x16xf32>,
        %add3A_433 = arith.constant 3 : i32
        %add3A_434 = arith.addi %multiple_of3A, %add3A_433 : i32
        %get3A_435 = arith.index_cast %add3A_434 : i32 to index
        %get3A_436 = arith.constant 16 : index
        %get3A_437 = tpu.vector_load %arg7[%get3A_435, %get3A_436] {strides = array<i32>} : memref<800x64xf32, #tpu.memory_space<vmem>>, vector<1x16xf32>,
        %get3A_438 = vector.shape_cast %get3A_437 : vector<1x16xf32> to vector<16xf32>
        %mul3A_439 = arith.constant 8.000000e+00 : f32
        %mul3A_440 = vector.broadcast %mul3A_439 : f32 to vector<16xf32>
        %mul3A_441 = arith.mulf %get3A_438, %mul3A_440 : vector<16xf32>
        %add3A_442 = arith.constant 3 : i32
        %add3A_443 = arith.addi %multiple_of3A, %add3A_442 : i32
        %swap3A_444 = arith.index_cast %add3A_443 : i32 to index
        %swap3A_445 = arith.constant 16 : index
        %swap3A_446 = tpu.vector_load %arg7[%swap3A_444, %swap3A_445] {strides = array<i32>} : memref<800x64xf32, #tpu.memory_space<vmem>>, vector<1x16xf32>,
        %swap3A_447 = vector.shape_cast %swap3A_446 : vector<1x16xf32> to vector<16xf32>
        %swap3A_448 = vector.shape_cast %mul3A_441 : vector<16xf32> to vector<1x16xf32>
        tpu.vector_store %arg7[%swap3A_444, %swap3A_445], %swap3A_448 {strides = array<i32>} : memref<800x64xf32, #tpu.memory_space<vmem>>, vector<1x16xf32>,
        %add3A_449 = arith.constant 3 : i32
        %add3A_450 = arith.addi %multiple_of3A, %add3A_449 : i32
        %get3A_451 = arith.index_cast %add3A_450 : i32 to index
        %get3A_452 = arith.constant 32 : index
        %get3A_453 = tpu.vector_load %arg7[%get3A_451, %get3A_452] {strides = array<i32>} : memref<800x64xf32, #tpu.memory_space<vmem>>, vector<1x16xf32>,
        %get3A_454 = vector.shape_cast %get3A_453 : vector<1x16xf32> to vector<16xf32>
        %mul3A_455 = arith.constant 8.000000e+00 : f32
        %mul3A_456 = vector.broadcast %mul3A_455 : f32 to vector<16xf32>
        %mul3A_457 = arith.mulf %get3A_454, %mul3A_456 : vector<16xf32>
        %add3A_458 = arith.constant 3 : i32
        %add3A_459 = arith.addi %multiple_of3A, %add3A_458 : i32
        %swap3A_460 = arith.index_cast %add3A_459 : i32 to index
        %swap3A_461 = arith.constant 32 : index
        %swap3A_462 = tpu.vector_load %arg7[%swap3A_460, %swap3A_461] {strides = array<i32>} : memref<800x64xf32, #tpu.memory_space<vmem>>, vector<1x16xf32>,
        %swap3A_463 = vector.shape_cast %swap3A_462 : vector<1x16xf32> to vector<16xf32>
        %swap3A_464 = vector.shape_cast %mul3A_457 : vector<16xf32> to vector<1x16xf32>
        tpu.vector_store %arg7[%swap3A_460, %swap3A_461], %swap3A_464 {strides = array<i32>} : memref<800x64xf32, #tpu.memory_space<vmem>>, vector<1x16xf32>,
        %add3A_465 = arith.constant 3 : i32
        %add3A_466 = arith.addi %multiple_of3A, %add3A_465 : i32
        %get3A_467 = arith.index_cast %add3A_466 : i32 to index
        %get3A_468 = arith.constant 48 : index
        %get3A_469 = tpu.vector_load %arg7[%get3A_467, %get3A_468] {strides = array<i32>} : memref<800x64xf32, #tpu.memory_space<vmem>>, vector<1x16xf32>,
        %get3A_470 = vector.shape_cast %get3A_469 : vector<1x16xf32> to vector<16xf32>
        %mul3A_471 = arith.constant 8.000000e+00 : f32
        %mul3A_472 = vector.broadcast %mul3A_471 : f32 to vector<16xf32>
        %mul3A_473 = arith.mulf %get3A_470, %mul3A_472 : vector<16xf32>
        %add3A_474 = arith.constant 3 : i32
        %add3A_475 = arith.addi %multiple_of3A, %add3A_474 : i32
        %swap3A_476 = arith.index_cast %add3A_475 : i32 to index
        %swap3A_477 = arith.constant 48 : index
        %swap3A_478 = tpu.vector_load %arg7[%swap3A_476, %swap3A_477] {strides = array<i32>} : memref<800x64xf32, #tpu.memory_space<vmem>>, vector<1x16xf32>,
        %swap3A_479 = vector.shape_cast %swap3A_478 : vector<1x16xf32> to vector<16xf32>
        %swap3A_480 = vector.shape_cast %mul3A_473 : vector<16xf32> to vector<1x16xf32>
        tpu.vector_store %arg7[%swap3A_476, %swap3A_477], %swap3A_480 {strides = array<i32>} : memref<800x64xf32, #tpu.memory_space<vmem>>, vector<1x16xf32>,
      }
      %scan3A_199 = arith.constant 200 : i32
      %dma_start3A_200 = arith.constant 0 : i32
      %dma_start3A_201 = tpu.memref_slice %arg4[%add3A_103, %dma_start3A_200] : memref<819200x64xf32, #tpu.memory_space<hbm>> -> memref<800x64xf32, #tpu.memory_space<hbm>>
      %dma_start3A_202 = arith.constant 0 : i32
      %dma_start3A_203 = tpu.memref_slice %arg4[%add3A_103, %dma_start3A_202] : memref<819200x64xf32, #tpu.memory_space<hbm>> -> memref<800x64xf32, #tpu.memory_space<hbm>>
      tpu.enqueue_dma source(%arg7 : memref<800x64xf32, #tpu.memory_space<vmem>>) target(%dma_start3A_203 : memref<800x64xf32, #tpu.memory_space<hbm>>) target_semaphore(%arg11 : memref<!tpu.dma_semaphore, #tpu.memory_space<semaphore_mem>>)
      %dma_wait3A_204 = arith.constant 0 : i32
      %dma_wait3A_205 = arith.constant 0 : i32
      %dma_wait3A_206 = tpu.memref_slice %arg3[%dma_wait3A_204, %dma_wait3A_205] : memref<1000000x64xf32, #tpu.memory_space<hbm>> -> memref<800x64xf32, #tpu.memory_space<hbm>>
      %dma_wait3A_207 = arith.constant 0 : i32
      %dma_wait3A_208 = arith.constant 0 : i32
      %dma_wait3A_209 = tpu.memref_slice %arg3[%dma_wait3A_207, %dma_wait3A_208] : memref<1000000x64xf32, #tpu.memory_space<hbm>> -> memref<800x64xf32, #tpu.memory_space<hbm>>
      tpu.wait_dma2 semaphore(%arg10 : memref<!tpu.dma_semaphore, #tpu.memory_space<semaphore_mem>>) src(%dma_wait3A_209 : memref<800x64xf32, #tpu.memory_space<hbm>>) dst(%arg8 : memref<800x64xf32, #tpu.memory_space<vmem>>)
      %lt3A = arith.constant 15 : i32
      %lt3A_210 = arith.cmpi slt, %scan3A_98, %lt3A : i32
      %convert_element_type3A_211 = arith.extui %lt3A_210 : i1 to i32
      %cond3A_212 = arith.constant 0 : i32
      %cond3A_213 = arith.cmpi ne, %convert_element_type3A_211, %cond3A_212 : i32
      scf.if %cond3A_213 {
        %dma_wait3A_224 = arith.constant 0 : i32
        %dma_wait3A_225 = arith.constant 0 : i32
        %dma_wait3A_226 = tpu.memref_slice %arg4[%dma_wait3A_224, %dma_wait3A_225] : memref<819200x64xf32, #tpu.memory_space<hbm>> -> memref<800x64xf32, #tpu.memory_space<hbm>>
        %dma_wait3A_227 = arith.constant 0 : i32
        %dma_wait3A_228 = arith.constant 0 : i32
        %dma_wait3A_229 = tpu.memref_slice %arg4[%dma_wait3A_227, %dma_wait3A_228] : memref<819200x64xf32, #tpu.memory_space<hbm>> -> memref<800x64xf32, #tpu.memory_space<hbm>>
        tpu.wait_dma2 semaphore(%arg11 : memref<!tpu.dma_semaphore, #tpu.memory_space<semaphore_mem>>) src(%arg7 : memref<800x64xf32, #tpu.memory_space<vmem>>) dst(%dma_wait3A_229 : memref<800x64xf32, #tpu.memory_space<hbm>>)
        %add3A_230 = arith.constant 1600 : i32
        %add3A_231 = arith.addi %add3A_103, %add3A_230 : i32
        "tpu.region"() ({
          %run_scoped3A = tpu.sem_alloc : memref<!tpu.dma_semaphore, #tpu.memory_space<semaphore_mem>>
          %dma_start3A_312 = tpu.memref_slice %arg2[%add3A_231] : memref<819200xi32, #tpu.memory_space<hbm>> -> memref<800xi32, #tpu.memory_space<hbm>>
          %dma_start3A_313 = tpu.memref_slice %arg2[%add3A_231] : memref<819200xi32, #tpu.memory_space<hbm>> -> memref<800xi32, #tpu.memory_space<hbm>>
          tpu.enqueue_dma source(%dma_start3A_313 : memref<800xi32, #tpu.memory_space<hbm>>) target(%arg5 : memref<800xi32, #tpu.memory_space<vmem>>) target_semaphore(%run_scoped3A : memref<!tpu.dma_semaphore, #tpu.memory_space<semaphore_mem>>)
          %dma_wait3A_314 = tpu.memref_slice %arg2[%add3A_231] : memref<819200xi32, #tpu.memory_space<hbm>> -> memref<800xi32, #tpu.memory_space<hbm>>
          %dma_wait3A_315 = tpu.memref_slice %arg2[%add3A_231] : memref<819200xi32, #tpu.memory_space<hbm>> -> memref<800xi32, #tpu.memory_space<hbm>>
          tpu.wait_dma2 semaphore(%run_scoped3A : memref<!tpu.dma_semaphore, #tpu.memory_space<semaphore_mem>>) src(%dma_wait3A_315 : memref<800xi32, #tpu.memory_space<hbm>>) dst(%arg5 : memref<800xi32, #tpu.memory_space<vmem>>)
          tpu.yield
        }) : () -> ()
        %dma_start3A_232 = arith.constant 0 : i32
        %dma_start3A_233 = arith.constant 0 : i32
        %dma_start3A_234 = tpu.memref_slice %arg7[%dma_start3A_232, %dma_start3A_233] : memref<800x64xf32, #tpu.memory_space<vmem>> -> memref<80x64xf32, #tpu.memory_space<vmem>>
        %dma_start3A_235 = arith.constant 0 : i32
        %dma_start3A_236 = tpu.memref_slice %arg5[%dma_start3A_235] : memref<800xi32, #tpu.memory_space<vmem>> -> memref<80xi32, #tpu.memory_space<vmem>>
        %dma_start3A_237 = arith.constant 0 : i32
        %dma_start3A_238 = arith.constant 0 : i32
        %dma_start3A_239 = tpu.memref_slice %arg3[%dma_start3A_237, %dma_start3A_238] : memref<1000000x64xf32, #tpu.memory_space<hbm>> -> memref<1000000x64xf32, #tpu.memory_space<hbm>>
        tpu.enqueue_indirect_dma source(%dma_start3A_239 : memref<1000000x64xf32, #tpu.memory_space<hbm>>) target(%dma_start3A_234 : memref<80x64xf32, #tpu.memory_space<vmem>>) offsets(%dma_start3A_236 : memref<80xi32, #tpu.memory_space<vmem>>) semaphore(%arg9 : memref<!tpu.dma_semaphore, #tpu.memory_space<semaphore_mem>>)
        %dma_start3A_240 = arith.constant 80 : i32
        %dma_start3A_241 = arith.constant 0 : i32
        %dma_start3A_242 = tpu.memref_slice %arg7[%dma_start3A_240, %dma_start3A_241] : memref<800x64xf32, #tpu.memory_space<vmem>> -> memref<80x64xf32, #tpu.memory_space<vmem>>
        %dma_start3A_243 = arith.constant 80 : i32
        %dma_start3A_244 = tpu.memref_slice %arg5[%dma_start3A_243] : memref<800xi32, #tpu.memory_space<vmem>> -> memref<80xi32, #tpu.memory_space<vmem>>
        %dma_start3A_245 = arith.constant 0 : i32
        %dma_start3A_246 = arith.constant 0 : i32
        %dma_start3A_247 = tpu.memref_slice %arg3[%dma_start3A_245, %dma_start3A_246] : memref<1000000x64xf32, #tpu.memory_space<hbm>> -> memref<1000000x64xf32, #tpu.memory_space<hbm>>
        tpu.enqueue_indirect_dma source(%dma_start3A_247 : memref<1000000x64xf32, #tpu.memory_space<hbm>>) target(%dma_start3A_242 : memref<80x64xf32, #tpu.memory_space<vmem>>) offsets(%dma_start3A_244 : memref<80xi32, #tpu.memory_space<vmem>>) semaphore(%arg9 : memref<!tpu.dma_semaphore, #tpu.memory_space<semaphore_mem>>)
        %dma_start3A_248 = arith.constant 160 : i32
        %dma_start3A_249 = arith.constant 0 : i32
        %dma_start3A_250 = tpu.memref_slice %arg7[%dma_start3A_248, %dma_start3A_249] : memref<800x64xf32, #tpu.memory_space<vmem>> -> memref<80x64xf32, #tpu.memory_space<vmem>>
        %dma_start3A_251 = arith.constant 160 : i32
        %dma_start3A_252 = tpu.memref_slice %arg5[%dma_start3A_251] : memref<800xi32, #tpu.memory_space<vmem>> -> memref<80xi32, #tpu.memory_space<vmem>>
        %dma_start3A_253 = arith.constant 0 : i32
        %dma_start3A_254 = arith.constant 0 : i32
        %dma_start3A_255 = tpu.memref_slice %arg3[%dma_start3A_253, %dma_start3A_254] : memref<1000000x64xf32, #tpu.memory_space<hbm>> -> memref<1000000x64xf32, #tpu.memory_space<hbm>>
        tpu.enqueue_indirect_dma source(%dma_start3A_255 : memref<1000000x64xf32, #tpu.memory_space<hbm>>) target(%dma_start3A_250 : memref<80x64xf32, #tpu.memory_space<vmem>>) offsets(%dma_start3A_252 : memref<80xi32, #tpu.memory_space<vmem>>) semaphore(%arg9 : memref<!tpu.dma_semaphore, #tpu.memory_space<semaphore_mem>>)
        %dma_start3A_256 = arith.constant 240 : i32
        %dma_start3A_257 = arith.constant 0 : i32
        %dma_start3A_258 = tpu.memref_slice %arg7[%dma_start3A_256, %dma_start3A_257] : memref<800x64xf32, #tpu.memory_space<vmem>> -> memref<80x64xf32, #tpu.memory_space<vmem>>
        %dma_start3A_259 = arith.constant 240 : i32
        %dma_start3A_260 = tpu.memref_slice %arg5[%dma_start3A_259] : memref<800xi32, #tpu.memory_space<vmem>> -> memref<80xi32, #tpu.memory_space<vmem>>
        %dma_start3A_261 = arith.constant 0 : i32
        %dma_start3A_262 = arith.constant 0 : i32
        %dma_start3A_263 = tpu.memref_slice %arg3[%dma_start3A_261, %dma_start3A_262] : memref<1000000x64xf32, #tpu.memory_space<hbm>> -> memref<1000000x64xf32, #tpu.memory_space<hbm>>
        tpu.enqueue_indirect_dma source(%dma_start3A_263 : memref<1000000x64xf32, #tpu.memory_space<hbm>>) target(%dma_start3A_258 : memref<80x64xf32, #tpu.memory_space<vmem>>) offsets(%dma_start3A_260 : memref<80xi32, #tpu.memory_space<vmem>>) semaphore(%arg9 : memref<!tpu.dma_semaphore, #tpu.memory_space<semaphore_mem>>)
        %dma_start3A_264 = arith.constant 320 : i32
        %dma_start3A_265 = arith.constant 0 : i32
        %dma_start3A_266 = tpu.memref_slice %arg7[%dma_start3A_264, %dma_start3A_265] : memref<800x64xf32, #tpu.memory_space<vmem>> -> memref<80x64xf32, #tpu.memory_space<vmem>>
        %dma_start3A_267 = arith.constant 320 : i32
        %dma_start3A_268 = tpu.memref_slice %arg5[%dma_start3A_267] : memref<800xi32, #tpu.memory_space<vmem>> -> memref<80xi32, #tpu.memory_space<vmem>>
        %dma_start3A_269 = arith.constant 0 : i32
        %dma_start3A_270 = arith.constant 0 : i32
        %dma_start3A_271 = tpu.memref_slice %arg3[%dma_start3A_269, %dma_start3A_270] : memref<1000000x64xf32, #tpu.memory_space<hbm>> -> memref<1000000x64xf32, #tpu.memory_space<hbm>>
        tpu.enqueue_indirect_dma source(%dma_start3A_271 : memref<1000000x64xf32, #tpu.memory_space<hbm>>) target(%dma_start3A_266 : memref<80x64xf32, #tpu.memory_space<vmem>>) offsets(%dma_start3A_268 : memref<80xi32, #tpu.memory_space<vmem>>) semaphore(%arg9 : memref<!tpu.dma_semaphore, #tpu.memory_space<semaphore_mem>>)
        %dma_start3A_272 = arith.constant 400 : i32
        %dma_start3A_273 = arith.constant 0 : i32
        %dma_start3A_274 = tpu.memref_slice %arg7[%dma_start3A_272, %dma_start3A_273] : memref<800x64xf32, #tpu.memory_space<vmem>> -> memref<80x64xf32, #tpu.memory_space<vmem>>
        %dma_start3A_275 = arith.constant 400 : i32
        %dma_start3A_276 = tpu.memref_slice %arg5[%dma_start3A_275] : memref<800xi32, #tpu.memory_space<vmem>> -> memref<80xi32, #tpu.memory_space<vmem>>
        %dma_start3A_277 = arith.constant 0 : i32
        %dma_start3A_278 = arith.constant 0 : i32
        %dma_start3A_279 = tpu.memref_slice %arg3[%dma_start3A_277, %dma_start3A_278] : memref<1000000x64xf32, #tpu.memory_space<hbm>> -> memref<1000000x64xf32, #tpu.memory_space<hbm>>
        tpu.enqueue_indirect_dma source(%dma_start3A_279 : memref<1000000x64xf32, #tpu.memory_space<hbm>>) target(%dma_start3A_274 : memref<80x64xf32, #tpu.memory_space<vmem>>) offsets(%dma_start3A_276 : memref<80xi32, #tpu.memory_space<vmem>>) semaphore(%arg9 : memref<!tpu.dma_semaphore, #tpu.memory_space<semaphore_mem>>)
        %dma_start3A_280 = arith.constant 480 : i32
        %dma_start3A_281 = arith.constant 0 : i32
        %dma_start3A_282 = tpu.memref_slice %arg7[%dma_start3A_280, %dma_start3A_281] : memref<800x64xf32, #tpu.memory_space<vmem>> -> memref<80x64xf32, #tpu.memory_space<vmem>>
        %dma_start3A_283 = arith.constant 480 : i32
        %dma_start3A_284 = tpu.memref_slice %arg5[%dma_start3A_283] : memref<800xi32, #tpu.memory_space<vmem>> -> memref<80xi32, #tpu.memory_space<vmem>>
        %dma_start3A_285 = arith.constant 0 : i32
        %dma_start3A_286 = arith.constant 0 : i32
        %dma_start3A_287 = tpu.memref_slice %arg3[%dma_start3A_285, %dma_start3A_286] : memref<1000000x64xf32, #tpu.memory_space<hbm>> -> memref<1000000x64xf32, #tpu.memory_space<hbm>>
        tpu.enqueue_indirect_dma source(%dma_start3A_287 : memref<1000000x64xf32, #tpu.memory_space<hbm>>) target(%dma_start3A_282 : memref<80x64xf32, #tpu.memory_space<vmem>>) offsets(%dma_start3A_284 : memref<80xi32, #tpu.memory_space<vmem>>) semaphore(%arg9 : memref<!tpu.dma_semaphore, #tpu.memory_space<semaphore_mem>>)
        %dma_start3A_288 = arith.constant 560 : i32
        %dma_start3A_289 = arith.constant 0 : i32
        %dma_start3A_290 = tpu.memref_slice %arg7[%dma_start3A_288, %dma_start3A_289] : memref<800x64xf32, #tpu.memory_space<vmem>> -> memref<80x64xf32, #tpu.memory_space<vmem>>
        %dma_start3A_291 = arith.constant 560 : i32
        %dma_start3A_292 = tpu.memref_slice %arg5[%dma_start3A_291] : memref<800xi32, #tpu.memory_space<vmem>> -> memref<80xi32, #tpu.memory_space<vmem>>
        %dma_start3A_293 = arith.constant 0 : i32
        %dma_start3A_294 = arith.constant 0 : i32
        %dma_start3A_295 = tpu.memref_slice %arg3[%dma_start3A_293, %dma_start3A_294] : memref<1000000x64xf32, #tpu.memory_space<hbm>> -> memref<1000000x64xf32, #tpu.memory_space<hbm>>
        tpu.enqueue_indirect_dma source(%dma_start3A_295 : memref<1000000x64xf32, #tpu.memory_space<hbm>>) target(%dma_start3A_290 : memref<80x64xf32, #tpu.memory_space<vmem>>) offsets(%dma_start3A_292 : memref<80xi32, #tpu.memory_space<vmem>>) semaphore(%arg9 : memref<!tpu.dma_semaphore, #tpu.memory_space<semaphore_mem>>)
        %dma_start3A_296 = arith.constant 640 : i32
        %dma_start3A_297 = arith.constant 0 : i32
        %dma_start3A_298 = tpu.memref_slice %arg7[%dma_start3A_296, %dma_start3A_297] : memref<800x64xf32, #tpu.memory_space<vmem>> -> memref<80x64xf32, #tpu.memory_space<vmem>>
        %dma_start3A_299 = arith.constant 640 : i32
        %dma_start3A_300 = tpu.memref_slice %arg5[%dma_start3A_299] : memref<800xi32, #tpu.memory_space<vmem>> -> memref<80xi32, #tpu.memory_space<vmem>>
        %dma_start3A_301 = arith.constant 0 : i32
        %dma_start3A_302 = arith.constant 0 : i32
        %dma_start3A_303 = tpu.memref_slice %arg3[%dma_start3A_301, %dma_start3A_302] : memref<1000000x64xf32, #tpu.memory_space<hbm>> -> memref<1000000x64xf32, #tpu.memory_space<hbm>>
        tpu.enqueue_indirect_dma source(%dma_start3A_303 : memref<1000000x64xf32, #tpu.memory_space<hbm>>) target(%dma_start3A_298 : memref<80x64xf32, #tpu.memory_space<vmem>>) offsets(%dma_start3A_300 : memref<80xi32, #tpu.memory_space<vmem>>) semaphore(%arg9 : memref<!tpu.dma_semaphore, #tpu.memory_space<semaphore_mem>>)
        %dma_start3A_304 = arith.constant 720 : i32
        %dma_start3A_305 = arith.constant 0 : i32
        %dma_start3A_306 = tpu.memref_slice %arg7[%dma_start3A_304, %dma_start3A_305] : memref<800x64xf32, #tpu.memory_space<vmem>> -> memref<80x64xf32, #tpu.memory_space<vmem>>
        %dma_start3A_307 = arith.constant 720 : i32
        %dma_start3A_308 = tpu.memref_slice %arg5[%dma_start3A_307] : memref<800xi32, #tpu.memory_space<vmem>> -> memref<80xi32, #tpu.memory_space<vmem>>
        %dma_start3A_309 = arith.constant 0 : i32
        %dma_start3A_310 = arith.constant 0 : i32
        %dma_start3A_311 = tpu.memref_slice %arg3[%dma_start3A_309, %dma_start3A_310] : memref<1000000x64xf32, #tpu.memory_space<hbm>> -> memref<1000000x64xf32, #tpu.memory_space<hbm>>
        tpu.enqueue_indirect_dma source(%dma_start3A_311 : memref<1000000x64xf32, #tpu.memory_space<hbm>>) target(%dma_start3A_306 : memref<80x64xf32, #tpu.memory_space<vmem>>) offsets(%dma_start3A_308 : memref<80xi32, #tpu.memory_space<vmem>>) semaphore(%arg9 : memref<!tpu.dma_semaphore, #tpu.memory_space<semaphore_mem>>)
      } else {
      }
      %scan3A_214 = arith.constant 0 : i32
      %scan3A_215 = arith.constant 0 : i32
      %scan3A_216 = arith.constant 200 : i32
      %scan3A_217 = arith.addi %scan3A_215, %scan3A_216 : i32
      %scan3A_218 = arith.constant 1 : i32
      scf.for %scan3A_224 = %scan3A_215 to %scan3A_217 step %scan3A_218  : i32 {
        %mul3A_225 = arith.constant 4 : i32
        %mul3A_226 = arith.muli %scan3A_224, %mul3A_225 : i32
        %multiple_of3A = tpu.assume_multiple %mul3A_226, 4 : i32
        %add3A_227 = arith.constant 0 : i32
        %add3A_228 = arith.addi %multiple_of3A, %add3A_227 : i32
        %get3A = arith.index_cast %add3A_228 : i32 to index
        %get3A_229 = arith.constant 0 : index
        %get3A_230 = tpu.vector_load %arg8[%get3A, %get3A_229] {strides = array<i32>} : memref<800x64xf32, #tpu.memory_space<vmem>>, vector<1x16xf32>,
        %get3A_231 = vector.shape_cast %get3A_230 : vector<1x16xf32> to vector<16xf32>
        %mul3A_232 = arith.constant 8.000000e+00 : f32
        %mul3A_233 = vector.broadcast %mul3A_232 : f32 to vector<16xf32>
        %mul3A_234 = arith.mulf %get3A_231, %mul3A_233 : vector<16xf32>
        %add3A_235 = arith.constant 0 : i32
        %add3A_236 = arith.addi %multiple_of3A, %add3A_235 : i32
        %swap3A = arith.index_cast %add3A_236 : i32 to index
        %swap3A_237 = arith.constant 0 : index
        %swap3A_238 = tpu.vector_load %arg8[%swap3A, %swap3A_237] {strides = array<i32>} : memref<800x64xf32, #tpu.memory_space<vmem>>, vector<1x16xf32>,
        %swap3A_239 = vector.shape_cast %swap3A_238 : vector<1x16xf32> to vector<16xf32>
        %swap3A_240 = vector.shape_cast %mul3A_234 : vector<16xf32> to vector<1x16xf32>
        tpu.vector_store %arg8[%swap3A, %swap3A_237], %swap3A_240 {strides = array<i32>} : memref<800x64xf32, #tpu.memory_space<vmem>>, vector<1x16xf32>,
        %add3A_241 = arith.constant 0 : i32
        %add3A_242 = arith.addi %multiple_of3A, %add3A_241 : i32
        %get3A_243 = arith.index_cast %add3A_242 : i32 to index
        %get3A_244 = arith.constant 16 : index
        %get3A_245 = tpu.vector_load %arg8[%get3A_243, %get3A_244] {strides = array<i32>} : memref<800x64xf32, #tpu.memory_space<vmem>>, vector<1x16xf32>,
        %get3A_246 = vector.shape_cast %get3A_245 : vector<1x16xf32> to vector<16xf32>
        %mul3A_247 = arith.constant 8.000000e+00 : f32
        %mul3A_248 = vector.broadcast %mul3A_247 : f32 to vector<16xf32>
        %mul3A_249 = arith.mulf %get3A_246, %mul3A_248 : vector<16xf32>
        %add3A_250 = arith.constant 0 : i32
        %add3A_251 = arith.addi %multiple_of3A, %add3A_250 : i32
        %swap3A_252 = arith.index_cast %add3A_251 : i32 to index
        %swap3A_253 = arith.constant 16 : index
        %swap3A_254 = tpu.vector_load %arg8[%swap3A_252, %swap3A_253] {strides = array<i32>} : memref<800x64xf32, #tpu.memory_space<vmem>>, vector<1x16xf32>,
        %swap3A_255 = vector.shape_cast %swap3A_254 : vector<1x16xf32> to vector<16xf32>
        %swap3A_256 = vector.shape_cast %mul3A_249 : vector<16xf32> to vector<1x16xf32>
        tpu.vector_store %arg8[%swap3A_252, %swap3A_253], %swap3A_256 {strides = array<i32>} : memref<800x64xf32, #tpu.memory_space<vmem>>, vector<1x16xf32>,
        %add3A_257 = arith.constant 0 : i32
        %add3A_258 = arith.addi %multiple_of3A, %add3A_257 : i32
        %get3A_259 = arith.index_cast %add3A_258 : i32 to index
        %get3A_260 = arith.constant 32 : index
        %get3A_261 = tpu.vector_load %arg8[%get3A_259, %get3A_260] {strides = array<i32>} : memref<800x64xf32, #tpu.memory_space<vmem>>, vector<1x16xf32>,
        %get3A_262 = vector.shape_cast %get3A_261 : vector<1x16xf32> to vector<16xf32>
        %mul3A_263 = arith.constant 8.000000e+00 : f32
        %mul3A_264 = vector.broadcast %mul3A_263 : f32 to vector<16xf32>
        %mul3A_265 = arith.mulf %get3A_262, %mul3A_264 : vector<16xf32>
        %add3A_266 = arith.constant 0 : i32
        %add3A_267 = arith.addi %multiple_of3A, %add3A_266 : i32
        %swap3A_268 = arith.index_cast %add3A_267 : i32 to index
        %swap3A_269 = arith.constant 32 : index
        %swap3A_270 = tpu.vector_load %arg8[%swap3A_268, %swap3A_269] {strides = array<i32>} : memref<800x64xf32, #tpu.memory_space<vmem>>, vector<1x16xf32>,
        %swap3A_271 = vector.shape_cast %swap3A_270 : vector<1x16xf32> to vector<16xf32>
        %swap3A_272 = vector.shape_cast %mul3A_265 : vector<16xf32> to vector<1x16xf32>
        tpu.vector_store %arg8[%swap3A_268, %swap3A_269], %swap3A_272 {strides = array<i32>} : memref<800x64xf32, #tpu.memory_space<vmem>>, vector<1x16xf32>,
        %add3A_273 = arith.constant 0 : i32
        %add3A_274 = arith.addi %multiple_of3A, %add3A_273 : i32
        %get3A_275 = arith.index_cast %add3A_274 : i32 to index
        %get3A_276 = arith.constant 48 : index
        %get3A_277 = tpu.vector_load %arg8[%get3A_275, %get3A_276] {strides = array<i32>} : memref<800x64xf32, #tpu.memory_space<vmem>>, vector<1x16xf32>,
        %get3A_278 = vector.shape_cast %get3A_277 : vector<1x16xf32> to vector<16xf32>
        %mul3A_279 = arith.constant 8.000000e+00 : f32
        %mul3A_280 = vector.broadcast %mul3A_279 : f32 to vector<16xf32>
        %mul3A_281 = arith.mulf %get3A_278, %mul3A_280 : vector<16xf32>
        %add3A_282 = arith.constant 0 : i32
        %add3A_283 = arith.addi %multiple_of3A, %add3A_282 : i32
        %swap3A_284 = arith.index_cast %add3A_283 : i32 to index
        %swap3A_285 = arith.constant 48 : index
        %swap3A_286 = tpu.vector_load %arg8[%swap3A_284, %swap3A_285] {strides = array<i32>} : memref<800x64xf32, #tpu.memory_space<vmem>>, vector<1x16xf32>,
        %swap3A_287 = vector.shape_cast %swap3A_286 : vector<1x16xf32> to vector<16xf32>
        %swap3A_288 = vector.shape_cast %mul3A_281 : vector<16xf32> to vector<1x16xf32>
        tpu.vector_store %arg8[%swap3A_284, %swap3A_285], %swap3A_288 {strides = array<i32>} : memref<800x64xf32, #tpu.memory_space<vmem>>, vector<1x16xf32>,
        %add3A_289 = arith.constant 1 : i32
        %add3A_290 = arith.addi %multiple_of3A, %add3A_289 : i32
        %get3A_291 = arith.index_cast %add3A_290 : i32 to index
        %get3A_292 = arith.constant 0 : index
        %get3A_293 = tpu.vector_load %arg8[%get3A_291, %get3A_292] {strides = array<i32>} : memref<800x64xf32, #tpu.memory_space<vmem>>, vector<1x16xf32>,
        %get3A_294 = vector.shape_cast %get3A_293 : vector<1x16xf32> to vector<16xf32>
        %mul3A_295 = arith.constant 8.000000e+00 : f32
        %mul3A_296 = vector.broadcast %mul3A_295 : f32 to vector<16xf32>
        %mul3A_297 = arith.mulf %get3A_294, %mul3A_296 : vector<16xf32>
        %add3A_298 = arith.constant 1 : i32
        %add3A_299 = arith.addi %multiple_of3A, %add3A_298 : i32
        %swap3A_300 = arith.index_cast %add3A_299 : i32 to index
        %swap3A_301 = arith.constant 0 : index
        %swap3A_302 = tpu.vector_load %arg8[%swap3A_300, %swap3A_301] {strides = array<i32>} : memref<800x64xf32, #tpu.memory_space<vmem>>, vector<1x16xf32>,
        %swap3A_303 = vector.shape_cast %swap3A_302 : vector<1x16xf32> to vector<16xf32>
        %swap3A_304 = vector.shape_cast %mul3A_297 : vector<16xf32> to vector<1x16xf32>
        tpu.vector_store %arg8[%swap3A_300, %swap3A_301], %swap3A_304 {strides = array<i32>} : memref<800x64xf32, #tpu.memory_space<vmem>>, vector<1x16xf32>,
        %add3A_305 = arith.constant 1 : i32
        %add3A_306 = arith.addi %multiple_of3A, %add3A_305 : i32
        %get3A_307 = arith.index_cast %add3A_306 : i32 to index
        %get3A_308 = arith.constant 16 : index
        %get3A_309 = tpu.vector_load %arg8[%get3A_307, %get3A_308] {strides = array<i32>} : memref<800x64xf32, #tpu.memory_space<vmem>>, vector<1x16xf32>,
        %get3A_310 = vector.shape_cast %get3A_309 : vector<1x16xf32> to vector<16xf32>
        %mul3A_311 = arith.constant 8.000000e+00 : f32
        %mul3A_312 = vector.broadcast %mul3A_311 : f32 to vector<16xf32>
        %mul3A_313 = arith.mulf %get3A_310, %mul3A_312 : vector<16xf32>
        %add3A_314 = arith.constant 1 : i32
        %add3A_315 = arith.addi %multiple_of3A, %add3A_314 : i32
        %swap3A_316 = arith.index_cast %add3A_315 : i32 to index
        %swap3A_317 = arith.constant 16 : index
        %swap3A_318 = tpu.vector_load %arg8[%swap3A_316, %swap3A_317] {strides = array<i32>} : memref<800x64xf32, #tpu.memory_space<vmem>>, vector<1x16xf32>,
        %swap3A_319 = vector.shape_cast %swap3A_318 : vector<1x16xf32> to vector<16xf32>
        %swap3A_320 = vector.shape_cast %mul3A_313 : vector<16xf32> to vector<1x16xf32>
        tpu.vector_store %arg8[%swap3A_316, %swap3A_317], %swap3A_320 {strides = array<i32>} : memref<800x64xf32, #tpu.memory_space<vmem>>, vector<1x16xf32>,
        %add3A_321 = arith.constant 1 : i32
        %add3A_322 = arith.addi %multiple_of3A, %add3A_321 : i32
        %get3A_323 = arith.index_cast %add3A_322 : i32 to index
        %get3A_324 = arith.constant 32 : index
        %get3A_325 = tpu.vector_load %arg8[%get3A_323, %get3A_324] {strides = array<i32>} : memref<800x64xf32, #tpu.memory_space<vmem>>, vector<1x16xf32>,
        %get3A_326 = vector.shape_cast %get3A_325 : vector<1x16xf32> to vector<16xf32>
        %mul3A_327 = arith.constant 8.000000e+00 : f32
        %mul3A_328 = vector.broadcast %mul3A_327 : f32 to vector<16xf32>
        %mul3A_329 = arith.mulf %get3A_326, %mul3A_328 : vector<16xf32>
        %add3A_330 = arith.constant 1 : i32
        %add3A_331 = arith.addi %multiple_of3A, %add3A_330 : i32
        %swap3A_332 = arith.index_cast %add3A_331 : i32 to index
        %swap3A_333 = arith.constant 32 : index
        %swap3A_334 = tpu.vector_load %arg8[%swap3A_332, %swap3A_333] {strides = array<i32>} : memref<800x64xf32, #tpu.memory_space<vmem>>, vector<1x16xf32>,
        %swap3A_335 = vector.shape_cast %swap3A_334 : vector<1x16xf32> to vector<16xf32>
        %swap3A_336 = vector.shape_cast %mul3A_329 : vector<16xf32> to vector<1x16xf32>
        tpu.vector_store %arg8[%swap3A_332, %swap3A_333], %swap3A_336 {strides = array<i32>} : memref<800x64xf32, #tpu.memory_space<vmem>>, vector<1x16xf32>,
        %add3A_337 = arith.constant 1 : i32
        %add3A_338 = arith.addi %multiple_of3A, %add3A_337 : i32
        %get3A_339 = arith.index_cast %add3A_338 : i32 to index
        %get3A_340 = arith.constant 48 : index
        %get3A_341 = tpu.vector_load %arg8[%get3A_339, %get3A_340] {strides = array<i32>} : memref<800x64xf32, #tpu.memory_space<vmem>>, vector<1x16xf32>,
        %get3A_342 = vector.shape_cast %get3A_341 : vector<1x16xf32> to vector<16xf32>
        %mul3A_343 = arith.constant 8.000000e+00 : f32
        %mul3A_344 = vector.broadcast %mul3A_343 : f32 to vector<16xf32>
        %mul3A_345 = arith.mulf %get3A_342, %mul3A_344 : vector<16xf32>
        %add3A_346 = arith.constant 1 : i32
        %add3A_347 = arith.addi %multiple_of3A, %add3A_346 : i32
        %swap3A_348 = arith.index_cast %add3A_347 : i32 to index
        %swap3A_349 = arith.constant 48 : index
        %swap3A_350 = tpu.vector_load %arg8[%swap3A_348, %swap3A_349] {strides = array<i32>} : memref<800x64xf32, #tpu.memory_space<vmem>>, vector<1x16xf32>,
        %swap3A_351 = vector.shape_cast %swap3A_350 : vector<1x16xf32> to vector<16xf32>
        %swap3A_352 = vector.shape_cast %mul3A_345 : vector<16xf32> to vector<1x16xf32>
        tpu.vector_store %arg8[%swap3A_348, %swap3A_349], %swap3A_352 {strides = array<i32>} : memref<800x64xf32, #tpu.memory_space<vmem>>, vector<1x16xf32>,
        %add3A_353 = arith.constant 2 : i32
        %add3A_354 = arith.addi %multiple_of3A, %add3A_353 : i32
        %get3A_355 = arith.index_cast %add3A_354 : i32 to index
        %get3A_356 = arith.constant 0 : index
        %get3A_357 = tpu.vector_load %arg8[%get3A_355, %get3A_356] {strides = array<i32>} : memref<800x64xf32, #tpu.memory_space<vmem>>, vector<1x16xf32>,
        %get3A_358 = vector.shape_cast %get3A_357 : vector<1x16xf32> to vector<16xf32>
        %mul3A_359 = arith.constant 8.000000e+00 : f32
        %mul3A_360 = vector.broadcast %mul3A_359 : f32 to vector<16xf32>
        %mul3A_361 = arith.mulf %get3A_358, %mul3A_360 : vector<16xf32>
        %add3A_362 = arith.constant 2 : i32
        %add3A_363 = arith.addi %multiple_of3A, %add3A_362 : i32
        %swap3A_364 = arith.index_cast %add3A_363 : i32 to index
        %swap3A_365 = arith.constant 0 : index
        %swap3A_366 = tpu.vector_load %arg8[%swap3A_364, %swap3A_365] {strides = array<i32>} : memref<800x64xf32, #tpu.memory_space<vmem>>, vector<1x16xf32>,
        %swap3A_367 = vector.shape_cast %swap3A_366 : vector<1x16xf32> to vector<16xf32>
        %swap3A_368 = vector.shape_cast %mul3A_361 : vector<16xf32> to vector<1x16xf32>
        tpu.vector_store %arg8[%swap3A_364, %swap3A_365], %swap3A_368 {strides = array<i32>} : memref<800x64xf32, #tpu.memory_space<vmem>>, vector<1x16xf32>,
        %add3A_369 = arith.constant 2 : i32
        %add3A_370 = arith.addi %multiple_of3A, %add3A_369 : i32
        %get3A_371 = arith.index_cast %add3A_370 : i32 to index
        %get3A_372 = arith.constant 16 : index
        %get3A_373 = tpu.vector_load %arg8[%get3A_371, %get3A_372] {strides = array<i32>} : memref<800x64xf32, #tpu.memory_space<vmem>>, vector<1x16xf32>,
        %get3A_374 = vector.shape_cast %get3A_373 : vector<1x16xf32> to vector<16xf32>
        %mul3A_375 = arith.constant 8.000000e+00 : f32
        %mul3A_376 = vector.broadcast %mul3A_375 : f32 to vector<16xf32>
        %mul3A_377 = arith.mulf %get3A_374, %mul3A_376 : vector<16xf32>
        %add3A_378 = arith.constant 2 : i32
        %add3A_379 = arith.addi %multiple_of3A, %add3A_378 : i32
        %swap3A_380 = arith.index_cast %add3A_379 : i32 to index
        %swap3A_381 = arith.constant 16 : index
        %swap3A_382 = tpu.vector_load %arg8[%swap3A_380, %swap3A_381] {strides = array<i32>} : memref<800x64xf32, #tpu.memory_space<vmem>>, vector<1x16xf32>,
        %swap3A_383 = vector.shape_cast %swap3A_382 : vector<1x16xf32> to vector<16xf32>
        %swap3A_384 = vector.shape_cast %mul3A_377 : vector<16xf32> to vector<1x16xf32>
        tpu.vector_store %arg8[%swap3A_380, %swap3A_381], %swap3A_384 {strides = array<i32>} : memref<800x64xf32, #tpu.memory_space<vmem>>, vector<1x16xf32>,
        %add3A_385 = arith.constant 2 : i32
        %add3A_386 = arith.addi %multiple_of3A, %add3A_385 : i32
        %get3A_387 = arith.index_cast %add3A_386 : i32 to index
        %get3A_388 = arith.constant 32 : index
        %get3A_389 = tpu.vector_load %arg8[%get3A_387, %get3A_388] {strides = array<i32>} : memref<800x64xf32, #tpu.memory_space<vmem>>, vector<1x16xf32>,
        %get3A_390 = vector.shape_cast %get3A_389 : vector<1x16xf32> to vector<16xf32>
        %mul3A_391 = arith.constant 8.000000e+00 : f32
        %mul3A_392 = vector.broadcast %mul3A_391 : f32 to vector<16xf32>
        %mul3A_393 = arith.mulf %get3A_390, %mul3A_392 : vector<16xf32>
        %add3A_394 = arith.constant 2 : i32
        %add3A_395 = arith.addi %multiple_of3A, %add3A_394 : i32
        %swap3A_396 = arith.index_cast %add3A_395 : i32 to index
        %swap3A_397 = arith.constant 32 : index
        %swap3A_398 = tpu.vector_load %arg8[%swap3A_396, %swap3A_397] {strides = array<i32>} : memref<800x64xf32, #tpu.memory_space<vmem>>, vector<1x16xf32>,
        %swap3A_399 = vector.shape_cast %swap3A_398 : vector<1x16xf32> to vector<16xf32>
        %swap3A_400 = vector.shape_cast %mul3A_393 : vector<16xf32> to vector<1x16xf32>
        tpu.vector_store %arg8[%swap3A_396, %swap3A_397], %swap3A_400 {strides = array<i32>} : memref<800x64xf32, #tpu.memory_space<vmem>>, vector<1x16xf32>,
        %add3A_401 = arith.constant 2 : i32
        %add3A_402 = arith.addi %multiple_of3A, %add3A_401 : i32
        %get3A_403 = arith.index_cast %add3A_402 : i32 to index
        %get3A_404 = arith.constant 48 : index
        %get3A_405 = tpu.vector_load %arg8[%get3A_403, %get3A_404] {strides = array<i32>} : memref<800x64xf32, #tpu.memory_space<vmem>>, vector<1x16xf32>,
        %get3A_406 = vector.shape_cast %get3A_405 : vector<1x16xf32> to vector<16xf32>
        %mul3A_407 = arith.constant 8.000000e+00 : f32
        %mul3A_408 = vector.broadcast %mul3A_407 : f32 to vector<16xf32>
        %mul3A_409 = arith.mulf %get3A_406, %mul3A_408 : vector<16xf32>
        %add3A_410 = arith.constant 2 : i32
        %add3A_411 = arith.addi %multiple_of3A, %add3A_410 : i32
        %swap3A_412 = arith.index_cast %add3A_411 : i32 to index
        %swap3A_413 = arith.constant 48 : index
        %swap3A_414 = tpu.vector_load %arg8[%swap3A_412, %swap3A_413] {strides = array<i32>} : memref<800x64xf32, #tpu.memory_space<vmem>>, vector<1x16xf32>,
        %swap3A_415 = vector.shape_cast %swap3A_414 : vector<1x16xf32> to vector<16xf32>
        %swap3A_416 = vector.shape_cast %mul3A_409 : vector<16xf32> to vector<1x16xf32>
        tpu.vector_store %arg8[%swap3A_412, %swap3A_413], %swap3A_416 {strides = array<i32>} : memref<800x64xf32, #tpu.memory_space<vmem>>, vector<1x16xf32>,
        %add3A_417 = arith.constant 3 : i32
        %add3A_418 = arith.addi %multiple_of3A, %add3A_417 : i32
        %get3A_419 = arith.index_cast %add3A_418 : i32 to index
        %get3A_420 = arith.constant 0 : index
        %get3A_421 = tpu.vector_load %arg8[%get3A_419, %get3A_420] {strides = array<i32>} : memref<800x64xf32, #tpu.memory_space<vmem>>, vector<1x16xf32>,
        %get3A_422 = vector.shape_cast %get3A_421 : vector<1x16xf32> to vector<16xf32>
        %mul3A_423 = arith.constant 8.000000e+00 : f32
        %mul3A_424 = vector.broadcast %mul3A_423 : f32 to vector<16xf32>
        %mul3A_425 = arith.mulf %get3A_422, %mul3A_424 : vector<16xf32>
        %add3A_426 = arith.constant 3 : i32
        %add3A_427 = arith.addi %multiple_of3A, %add3A_426 : i32
        %swap3A_428 = arith.index_cast %add3A_427 : i32 to index
        %swap3A_429 = arith.constant 0 : index
        %swap3A_430 = tpu.vector_load %arg8[%swap3A_428, %swap3A_429] {strides = array<i32>} : memref<800x64xf32, #tpu.memory_space<vmem>>, vector<1x16xf32>,
        %swap3A_431 = vector.shape_cast %swap3A_430 : vector<1x16xf32> to vector<16xf32>
        %swap3A_432 = vector.shape_cast %mul3A_425 : vector<16xf32> to vector<1x16xf32>
        tpu.vector_store %arg8[%swap3A_428, %swap3A_429], %swap3A_432 {strides = array<i32>} : memref<800x64xf32, #tpu.memory_space<vmem>>, vector<1x16xf32>,
        %add3A_433 = arith.constant 3 : i32
        %add3A_434 = arith.addi %multiple_of3A, %add3A_433 : i32
        %get3A_435 = arith.index_cast %add3A_434 : i32 to index
        %get3A_436 = arith.constant 16 : index
        %get3A_437 = tpu.vector_load %arg8[%get3A_435, %get3A_436] {strides = array<i32>} : memref<800x64xf32, #tpu.memory_space<vmem>>, vector<1x16xf32>,
        %get3A_438 = vector.shape_cast %get3A_437 : vector<1x16xf32> to vector<16xf32>
        %mul3A_439 = arith.constant 8.000000e+00 : f32
        %mul3A_440 = vector.broadcast %mul3A_439 : f32 to vector<16xf32>
        %mul3A_441 = arith.mulf %get3A_438, %mul3A_440 : vector<16xf32>
        %add3A_442 = arith.constant 3 : i32
        %add3A_443 = arith.addi %multiple_of3A, %add3A_442 : i32
        %swap3A_444 = arith.index_cast %add3A_443 : i32 to index
        %swap3A_445 = arith.constant 16 : index
        %swap3A_446 = tpu.vector_load %arg8[%swap3A_444, %swap3A_445] {strides = array<i32>} : memref<800x64xf32, #tpu.memory_space<vmem>>, vector<1x16xf32>,
        %swap3A_447 = vector.shape_cast %swap3A_446 : vector<1x16xf32> to vector<16xf32>
        %swap3A_448 = vector.shape_cast %mul3A_441 : vector<16xf32> to vector<1x16xf32>
        tpu.vector_store %arg8[%swap3A_444, %swap3A_445], %swap3A_448 {strides = array<i32>} : memref<800x64xf32, #tpu.memory_space<vmem>>, vector<1x16xf32>,
        %add3A_449 = arith.constant 3 : i32
        %add3A_450 = arith.addi %multiple_of3A, %add3A_449 : i32
        %get3A_451 = arith.index_cast %add3A_450 : i32 to index
        %get3A_452 = arith.constant 32 : index
        %get3A_453 = tpu.vector_load %arg8[%get3A_451, %get3A_452] {strides = array<i32>} : memref<800x64xf32, #tpu.memory_space<vmem>>, vector<1x16xf32>,
        %get3A_454 = vector.shape_cast %get3A_453 : vector<1x16xf32> to vector<16xf32>
        %mul3A_455 = arith.constant 8.000000e+00 : f32
        %mul3A_456 = vector.broadcast %mul3A_455 : f32 to vector<16xf32>
        %mul3A_457 = arith.mulf %get3A_454, %mul3A_456 : vector<16xf32>
        %add3A_458 = arith.constant 3 : i32
        %add3A_459 = arith.addi %multiple_of3A, %add3A_458 : i32
        %swap3A_460 = arith.index_cast %add3A_459 : i32 to index
        %swap3A_461 = arith.constant 32 : index
        %swap3A_462 = tpu.vector_load %arg8[%swap3A_460, %swap3A_461] {strides = array<i32>} : memref<800x64xf32, #tpu.memory_space<vmem>>, vector<1x16xf32>,
        %swap3A_463 = vector.shape_cast %swap3A_462 : vector<1x16xf32> to vector<16xf32>
        %swap3A_464 = vector.shape_cast %mul3A_457 : vector<16xf32> to vector<1x16xf32>
        tpu.vector_store %arg8[%swap3A_460, %swap3A_461], %swap3A_464 {strides = array<i32>} : memref<800x64xf32, #tpu.memory_space<vmem>>, vector<1x16xf32>,
        %add3A_465 = arith.constant 3 : i32
        %add3A_466 = arith.addi %multiple_of3A, %add3A_465 : i32
        %get3A_467 = arith.index_cast %add3A_466 : i32 to index
        %get3A_468 = arith.constant 48 : index
        %get3A_469 = tpu.vector_load %arg8[%get3A_467, %get3A_468] {strides = array<i32>} : memref<800x64xf32, #tpu.memory_space<vmem>>, vector<1x16xf32>,
        %get3A_470 = vector.shape_cast %get3A_469 : vector<1x16xf32> to vector<16xf32>
        %mul3A_471 = arith.constant 8.000000e+00 : f32
        %mul3A_472 = vector.broadcast %mul3A_471 : f32 to vector<16xf32>
        %mul3A_473 = arith.mulf %get3A_470, %mul3A_472 : vector<16xf32>
        %add3A_474 = arith.constant 3 : i32
        %add3A_475 = arith.addi %multiple_of3A, %add3A_474 : i32
        %swap3A_476 = arith.index_cast %add3A_475 : i32 to index
        %swap3A_477 = arith.constant 48 : index
        %swap3A_478 = tpu.vector_load %arg8[%swap3A_476, %swap3A_477] {strides = array<i32>} : memref<800x64xf32, #tpu.memory_space<vmem>>, vector<1x16xf32>,
        %swap3A_479 = vector.shape_cast %swap3A_478 : vector<1x16xf32> to vector<16xf32>
        %swap3A_480 = vector.shape_cast %mul3A_473 : vector<16xf32> to vector<1x16xf32>
        tpu.vector_store %arg8[%swap3A_476, %swap3A_477], %swap3A_480 {strides = array<i32>} : memref<800x64xf32, #tpu.memory_space<vmem>>, vector<1x16xf32>,
      }
      %scan3A_219 = arith.constant 200 : i32
      %dma_start3A_220 = arith.constant 0 : i32
      %dma_start3A_221 = tpu.memref_slice %arg4[%add3A_105, %dma_start3A_220] : memref<819200x64xf32, #tpu.memory_space<hbm>> -> memref<800x64xf32, #tpu.memory_space<hbm>>
      %dma_start3A_222 = arith.constant 0 : i32
      %dma_start3A_223 = tpu.memref_slice %arg4[%add3A_105, %dma_start3A_222] : memref<819200x64xf32, #tpu.memory_space<hbm>> -> memref<800x64xf32, #tpu.memory_space<hbm>>
      tpu.enqueue_dma source(%arg8 : memref<800x64xf32, #tpu.memory_space<vmem>>) target(%dma_start3A_223 : memref<800x64xf32, #tpu.memory_space<hbm>>) target_semaphore(%arg12 : memref<!tpu.dma_semaphore, #tpu.memory_space<semaphore_mem>>)
    }
    %scan3A_86 = arith.constant 16 : i32
    %dma_wait3A = arith.constant 0 : i32
    %dma_wait3A_87 = arith.constant 0 : i32
    %dma_wait3A_88 = tpu.memref_slice %arg4[%dma_wait3A, %dma_wait3A_87] : memref<819200x64xf32, #tpu.memory_space<hbm>> -> memref<800x64xf32, #tpu.memory_space<hbm>>
    %dma_wait3A_89 = arith.constant 0 : i32
    %dma_wait3A_90 = arith.constant 0 : i32
    %dma_wait3A_91 = tpu.memref_slice %arg4[%dma_wait3A_89, %dma_wait3A_90] : memref<819200x64xf32, #tpu.memory_space<hbm>> -> memref<800x64xf32, #tpu.memory_space<hbm>>
    tpu.wait_dma2 semaphore(%arg11 : memref<!tpu.dma_semaphore, #tpu.memory_space<semaphore_mem>>) src(%arg7 : memref<800x64xf32, #tpu.memory_space<vmem>>) dst(%dma_wait3A_91 : memref<800x64xf32, #tpu.memory_space<hbm>>)
    %dma_wait3A_92 = arith.constant 0 : i32
    %dma_wait3A_93 = arith.constant 0 : i32
    %dma_wait3A_94 = tpu.memref_slice %arg4[%dma_wait3A_92, %dma_wait3A_93] : memref<819200x64xf32, #tpu.memory_space<hbm>> -> memref<800x64xf32, #tpu.memory_space<hbm>>
    %dma_wait3A_95 = arith.constant 0 : i32
    %dma_wait3A_96 = arith.constant 0 : i32
    %dma_wait3A_97 = tpu.memref_slice %arg4[%dma_wait3A_95, %dma_wait3A_96] : memref<819200x64xf32, #tpu.memory_space<hbm>> -> memref<800x64xf32, #tpu.memory_space<hbm>>
    tpu.wait_dma2 semaphore(%arg12 : memref<!tpu.dma_semaphore, #tpu.memory_space<semaphore_mem>>) src(%arg8 : memref<800x64xf32, #tpu.memory_space<vmem>>) dst(%dma_wait3A_97 : memref<800x64xf32, #tpu.memory_space<hbm>>)
    return
  }
}

</mosaic_0001>

<sc_bundles>
// kernel: _gather_scale.3.cloned.1.call-start
scs
__scs_entry_jumppad:
0x0: {  	(pc) =	sbr.rel $0x88, $3  }
0x1: {  	(tag) =	ssettag $0x0;
	lr =	simm.s32 $0x1  }
0x2: {  	[smem:$0x3F9F] =	sst lr;
	_ =	strace $0xD0000000  }
0x3: {  	_ = 	snop  }
0x4: {  	_ = 	snop  }
0x5: {  	_ = 	snop  }
0x6: {  	_ = 	snop  }
0x7: {  	_ = 	snop  }
__scs_overlays_trampoline_lowered:
0x8: {  	[smem:$0x3FAE] =	sst s0  }
0x9: {  	[smem:$0x3FAF] =	sst s1  }
0xa: {  	[smem:$0x3FB0] =	sst s2  }
0xb: {  	[smem:$0x3FB1] =	sst s3  }
0xc: {  	[smem:$0x3FB2] =	sst s4  }
0xd: {  	[smem:$0x3FB3] =	sst s5  }
0xe: {  	[smem:$0x3FB4] =	sst s6  }
0xf: {  	[smem:$0x3FB5] =	sst s7  }
0x10: {  	[smem:$0x3FB6] =	sst s8  }
0x11: {  	[smem:$0x3FB7] =	sst s9;
	s0 =	simm.s32 @!p0 $0x0  }
0x12: {  	s1 =	sld [smem:$0x3F9D];
	s0 =	simm.s32 @p0 $0x1  }
0x13: {  	[smem:$0x3FB8] =	sst s0;
	s0 =	simm.s32 @!p1 $0x0  }
0x14: {  	s2 =	sld [smem:$0x3F9C];
	s0 =	simm.s32 @p1 $0x1  }
0x15: {  	[smem:$0x3FB9] =	sst s0;
	s0 =	simm.s32 @!p2 $0x0  }
0x16: {  	s3 =	sld [smem:$0x3FDB];
	s0 =	simm.s32 @p2 $0x1  }
0x17: {  	s4 =	simm.s32 $0x1BF5;
	[smem:$0x3FBB] =	sst s0  }
0x18: {  	s0 =	sld [smem:$0x3F9E];
	_ =	swait.ge [sflag:s4], $0x0  }
0x19: {  	s7 =	sld [smem:$0x3F9F]  }
0x1a: {  	s8 =	sadd.s32 $0xFFFFE003, lr  }
0x1b: {  	s9 =	sadd.s32 $0xFFFFFEF7, lr;
	s5 =	simm.s32 $0xFFFFFFFF;
	p2 =	slt.u32 s8, $0xFFFFF086  }
0x1c: {  	p1 =	slt.u32 s9, $0xF7A;
	s5 =	simm.s32 @!p2 $0x0  }
0x1d: {  	s5 =	simm.s32 @p1 $0x1;
	p0 =	seq.s32 s7, s2  }
0x1e: {  	s7 =	smul.u32 @!p0 $0xF7A, s2;
	p2 =	seq.s32 @!p0 s5, $0x0  }
0x1f: {  	s9 =	smul.u32 $0xF7A, s1;
	s8 =	simm.s32 @!p0 $0x1BF5;
	p2 =	por !p2, p0  }
0x20: {  	[sflag:s8] =	ssyncset.s32 @!p0 $0xFFFFF086;
	s6 =	sadd.s32 @!p0 s3, s7;
	s7 =	simm.s32 @!p0 $0x108  }
0x21: {  	s3 =	sadd.s32 s3, s9;
	s6 =	sadd.s32 @!p0 $0x88, s6;
	s7 =	simm.s32 @p2 $0x1082  }
0x22: {  	[simem:s7], [sflag:s8] =	dma.local @!p0 [hbm:s6], $0xF7A  }
0x23: {  	s9 =	sor.u32 $0xD0000000, s2;
	s6 =	simm.s32 $0x108;
	_ =	swait.ge @!p0 [sflag:s8], $0x0  }
0x24: {  	s3 =	sadd.s32 $0x88, s3;
	s6 =	simm.s32 @!p1 $0x1082;
	[sflag:s4] =	ssyncset.s32 $0xFFFFF086  }
0x25: {  	[simem:s6], [sflag:s4] =	dma.local [hbm:s3], $0xF7A  }
0x26: {  	[smem:$0x3F9F] =	sst s1;
	(tag) =	ssettag s2;
	_ =	strace s9  }
0x27: {  	s1 =	sld [smem:$0x3FAF]  }
0x28: {  	s2 =	sld [smem:$0x3FB0]  }
0x29: {  	s4 =	sld [smem:$0x3FB2]  }
0x2a: {  	p0 =	seq.s32 s5, $0x0;
	s5 =	sld [smem:$0x3FB3]  }
0x2b: {  	s6 =	sld [smem:$0x3FB4]  }
0x2c: {  	s7 =	sld [smem:$0x3FB5]  }
0x2d: {  	s3 =	simm.s32 $0x108;
	s8 =	sld [smem:$0x3FB6]  }
0x2e: {  	s3 =	simm.s32 @!p0 $0x1082;
	s9 =	sld [smem:$0x3FB7]  }
0x2f: {  	lr =	sadd.s32 s0, s3;
	s0 =	sld [smem:$0x3FAE]  }
0x30: {  	s3 =	sld [smem:$0x3FB1]  }
0x31: {  	[smem:$0x3FBA] =	sst s10  }
0x32: {  	s10 =	sld [smem:$0x3FB8];
	_ =	sdelay $0x3  }
0x33: {  	p0 =	seq.s32 s10, $0x1;
	s10 =	sld [smem:$0x3FBA];
	_ =	sdelay $0x3  }
0x34: {  	[smem:$0x3FBA] =	sst s10  }
0x35: {  	s10 =	sld [smem:$0x3FB9];
	_ =	sdelay $0x3  }
0x36: {  	p1 =	seq.s32 s10, $0x1;
	s10 =	sld [smem:$0x3FBA];
	_ =	sdelay $0x3  }
0x37: {  	[smem:$0x3FBA] =	sst s10  }
0x38: {  	s10 =	sld [smem:$0x3FBB]  }
0x39: {  	_ = 	snop;
	(pc) =	sbr.ind lr, $3  }
0x3a: {  	_ = 	snop  }
0x3b: {  	_ = 	snop  }
0x3c: {  	p2 =	seq.s32 s10, $0x1;
	s10 =	sld [smem:$0x3FBA]  }
0x3d: {  	_ =	shalt  }
0x3e: {  	_ =	shalt  }
0x3f: {  	_ =	shalt  }
0x40: {  	_ =	shalt  }
0x41: {  	_ =	shalt  }
0x42: {  	_ =	shalt  }
0x43: {  	_ =	shalt  }
0x44: {  	_ =	shalt  }
0x45: {  	_ =	shalt  }
0x46: {  	_ =	shalt  }
0x47: {  	_ =	shalt  }
0x48: {  	_ =	shalt  }
0x49: {  	_ =	shalt  }
0x4a: {  	_ =	shalt  }
0x4b: {  	_ =	shalt  }
0x4c: {  	_ =	shalt  }
0x4d: {  	_ =	shalt  }
0x4e: {  	_ =	shalt  }
0x4f: {  	_ =	shalt  }
0x50: {  	_ =	shalt  }
0x51: {  	_ =	shalt  }
0x52: {  	_ =	shalt  }
0x53: {  	_ =	shalt  }
0x54: {  	_ =	shalt  }
0x55: {  	_ =	shalt  }
0x56: {  	_ =	shalt  }
0x57: {  	_ =	shalt  }
0x58: {  	_ =	shalt  }
0x59: {  	_ =	shalt  }
0x5a: {  	_ =	shalt  }
0x5b: {  	_ =	shalt  }
0x5c: {  	_ =	shalt  }
0x5d: {  	_ =	shalt  }
0x5e: {  	_ =	shalt  }
0x5f: {  	_ =	shalt  }
0x60: {  	_ =	shalt  }
0x61: {  	_ =	shalt  }
0x62: {  	_ =	shalt  }
0x63: {  	_ =	shalt  }
0x64: {  	_ =	shalt  }
0x65: {  	_ =	shalt  }
0x66: {  	_ =	shalt  }
0x67: {  	_ =	shalt  }
0x68: {  	_ =	shalt  }
0x69: {  	_ =	shalt  }
0x6a: {  	_ =	shalt  }
0x6b: {  	_ =	shalt  }
0x6c: {  	_ =	shalt  }
0x6d: {  	_ =	shalt  }
0x6e: {  	_ =	shalt  }
0x6f: {  	_ =	shalt  }
0x70: {  	_ =	shalt  }
0x71: {  	_ =	shalt  }
0x72: {  	_ =	shalt  }
0x73: {  	_ =	shalt  }
0x74: {  	_ =	shalt  }
0x75: {  	_ =	shalt  }
0x76: {  	_ =	shalt  }
0x77: {  	_ =	shalt  }
0x78: {  	_ =	shalt  }
0x79: {  	_ =	shalt  }
0x7a: {  	_ =	shalt  }
0x7b: {  	_ =	shalt  }
0x7c: {  	_ =	shalt  }
0x7d: {  	_ =	shalt  }
0x7e: {  	_ =	shalt  }
0x7f: {  	_ =	shalt  }
0x80: {  	_ =	shalt  }
0x81: {  	_ =	shalt  }
0x82: {  	_ =	shalt  }
0x83: {  	_ =	shalt  }
0x84: {  	_ =	shalt  }
0x85: {  	_ =	shalt  }
0x86: {  	_ =	shalt  }
0x87: {  	_ =	shalt  }
.Lfunc_end0:
.L_simem_size_0:
called_computation.1_lowered:
.L_overlay_start_0:
0x88: {  	s2 =	sld [smem:$0x3FD9]  }
0x89: {  	s3 =	sld [smem:$0x3FFE];
	_ =	sdelay $0x1  }
0x8a: {  	s1 =	srdreg.scid  }
0x8b: {  	s0 =	sand.u32 $0x1, s1  }
0x8c: {  	s17 =	sshll.u32 s0, $0xA;
	s2 =	sadd.s32 s3, s2  }
0x8d: {  	s2 =	sadd.s32 s2, s17  }
0x8e: {  	[smem:$0x3FC6] =	sst s2  }
0x8f: {  	_ = 	snop  }
0x90: {  	s2 =	sld [smem:$0x3FC9]  }
0x91: {  	s18 =	sld [smem:$0x3FD0];
	(tm) =	ssettm $0x1  }
0x92: {  	s4 =	sld [smem:$0x3FFB];
	_ =	sdelay $0x3  }
0x93: {  	_ =	strace s4  }
0x94: {  	s4 =	sld [smem:$0x3FFC];
	_ =	sdelay $0x3  }
0x95: {  	_ =	strace s4  }
0x96: {  	s4 =	sld [smem:$0x3FFD];
	_ =	sdelay $0x3  }
0x97: {  	_ =	strace s4  }
0x98: {  	_ =	strace $0x8FFFFFFF  }
0x99: {  	s19 =	sld [smem:$0x3FDB];
	_ =	sdelay $0x1  }
0x9a: {  	s5 =	simm.s32 $_scs_section_size  }
0x9b: {  	s6 =	simm.s32 $_size__tile_overlayer_lowered;
	s7 =	simm.s32 $_tile_overlayer_lowered  }
0x9c: {  	s22 =	simm.s32 $0x1BFF;
	s21 =	sshll.u32 s7, $0x1;
	s4 =	sadd.s32 s5, s19  }
0x9d: {  	s8 =	simm.s32 $0x0;
	s20 =	sshll.u32 s6, $0x1;
	s6 =	sadd.s32 s21, s4  }
0x9e: {  	[timem:s8], [sflag:s22] =	dma.local [hbm:s6], s20  }
0x9f: {  	_ =	swait.ge [sflag:s22], s20  }
0xa0: {  	s5 =	ssub.s32 $0x0, s20;
	[sflag:s22] =	ssyncset.done $0x0  }
0xa1: {  	[sflag:s22] =	ssyncadd.s32 s5;
	_ =	sdelay $0x1  }
0xa2: {  	s23 =	simm.s32 $0x1B8B  }
0xa3: {  	_ =	swait.ge [sflag:s23], $0x1  }
0xa4: {  	[sflag:s23] =	ssyncset.done $0x0  }
0xa5: {  	s25 =	simm.s32 $0x1B8E;
	s24 =	sld [smem:$0x3FFE];
	[sflag:s23] =	ssyncadd.s32 $0xFFFFFFFF  }
0xa6: {  	s26 =	simm.s32 $execute0_lowered;
	[smem:$0x3FD2] =	sst s25  }
0xa7: {  	s6 =	sshll.u32 s26, $0x1;
	_ =	strace $0x80000046;
	[dreg:$0x1] =	wrdreg $0xFFFFFFFF  }
0xa8: {  	s28 =	simm.s32 $_size_execute0_lowered;
	s4 =	sadd.s32 s4, s6;
	[dreg:$0x0] =	wrdreg $0x0  }
0xa9: {  	s6 =	sshll.u32 s28, $0x1;
	[dreg:$0x2] =	wrdreg s4  }
0xaa: {  	[dreg:$0x3] =	wrdreg s6  }
0xab: {  	[dreg:$0x4] =	wrdreg $0xC0  }
0xac: {  	_ =	task [dreg:s8], $0x5FFFF  }
0xad: {  	[dreg:$0x1] =	wrdreg $0xFFFFFFFF  }
0xae: {  	[dreg:$0x0] =	wrdreg $0x60  }
0xaf: {  	[dreg:$0x2] =	wrdreg s2  }
0xb0: {  	[dreg:$0x3] =	wrdreg s24  }
0xb1: {  	[dreg:$0x4] =	wrdreg s18  }
0xb2: {  	[dreg:$0x5] =	wrdreg $0x9  }
0xb3: {  	_ =	task.clear_ibuf [dreg:s8], $0x6FFFF;
	_ =	strace $0x90000046  }
0xb4: {  	s29 =	simm.s32 $0x9;
	_ =	strace $0x80000048  }
0xb5: {  	_ =	swait.ge [sflag:s29], $0x1  }
0xb6: {  	[sflag:s29] =	ssyncadd.s32 $0xFFFFFFFF  }
0xb7: {  	_ =	strace $0x90000048  }
0xb8: {  	_ =	sfence  }
0xb9: {  	s30 =	sld [smem:$0x0];
	_ =	sdelay $0x2  }
0xba: {  	s31 =	sshll.u32 s1, $0xD;
	s1 =	sshrl.u32 s1, $0x2  }
0xbb: {  	s3 =	sand.u32 $0x4000, s31;
	s1 =	sadd.s32 s1, s30  }
0xbc: {  	s0 =	sor.u32 s3, s0;
	s1 =	sshll.u32 s1, $0x11  }
0xbd: {  	s0 =	sor.u32 s1, s0  }
0xbe: {  	s0 =	sadd.s32 $0x8F2B, s0  }
0xbf: {  	[sflag:s0] =	ssyncadd.remote.s32 $0x1  }
0xc0: {  	_ =	sfence.sel $0xFFFF  }
0xc1: {  	[dreg:$0x0] =	wrdreg $0xFFFFFFFF;
	(pc) =	sbr.abs _section_cstart, $3  }
0xc2: {  	[dreg:$0x1] =	wrdreg $0xFFFFFFFF  }
0xc3: {  	_ =	task.clear_ibuf [dreg:s8], $0x2FFFF;
	_ =	strace $0x9FFFFFFF  }
0xc4: {  	(tm) =	ssettm $0x7FFFFFFF  }
0xc5: {  	_ =	shalt  }
tec
execute0_lowered:
.L_overlay_start_1:
0x0: {  	(tag) =	ssettag $0x1  }
0x1: {  	s1 =	rddreg [dreg:$0x0]  }
0x2: {  	s0 =	rddreg [dreg:$0x1];
	s2 =	srdreg.scid  }
0x3: {  	s4 =	stileid.u32;
	s3 =	rddreg [dreg:$0x2];
	s9 =	simm.s32 $0x5  }
0x4: {  	s10 =	simm.s32 $0x50;
	s30 =	simm.s32 $0x1;
	s31 =	simm.s32 $0x320  }
0x5: {  	s15 =	simm.s32 $0x410;
	s16 =	simm.s32 $0x10A40;
	s17 =	simm.s32 $0x460  }
0x6: {  	s18 =	simm.s32 $0x11E40;
	s19 =	simm.s32 $0x4B0;
	s20 =	simm.s32 $0x13240  }
0x7: {  	s21 =	simm.s32 $0x500;
	s22 =	simm.s32 $0x14640;
	s23 =	simm.s32 $0x550  }
0x8: {  	s24 =	simm.s32 $0x15A40;
	s28 =	simm.s32 $0x5F0;
	s29 =	simm.s32 $0x18240  }
0x9: {  	s11 =	simm.s32 $0x0;
	s2 =	sand.u32 $0x1, s2;
	s4 =	sshll.u32 s4, $0x1  }
0xa: {  	s5 =	sor.u32 s2, s4;
	s4 =	simm.s32 $0x0;
	s2 =	ssub.s32 $0x2, s2  }
0xb: {  	s5 =	smul.u32 $0x6400, s5;
	[smem:$0x7FF] =	sst s4;
	s6 =	sshrl.u32 s2, $0x1  }
0xc: {  	_ =	strace $0x80000047;
	s2 =	ssub.s32 s2, s6;
	s6 =	sadd.s32 $0xF42C00, s0  }
0xd: {  	s7 =	sshrl.u32 s5, $0x3;
	s26 =	smax.u32 s2, $0x1;
	s2 =	simm.s32 $0xCE40  }
0xe: {  	s25 =	sadd.s32 s1, s7;
	[dreg:$0x5] =	wrdreg s26;
	s26 =	simm.s32 $0x16E40  }
0xf: {  	s7 =	simm.s32 $0x2;
	[dreg:$0x4] =	wrdreg s25;
	s25 =	simm.s32 $0x5A0  }
.LBB2_1:
0x10: {  	[dreg:$0x6] =	wrdreg s11  }
0x11: {  	s0 =	rddreg [dreg:$0x4]  }
0x12: {  	[tilespmem:s4], [sflag:$0x5] =	stream.linear.gather [hbm4b:s0+s4], $0x320, $0x38;
	[tilespmem:$0x19640] =	vst v63  }
0x13: {  	_ =	swait.ge [sflag:s9], $0x320  }
0x14: {  	[sflag:s9] =	ssyncset.done $0x0  }
0x15: {  	s8 =	simm.s32 $0x640;
	[sflag:s9] =	ssyncadd.s32 $0xFFFFFCE0  }
0x16: {  	[tilespmem:s8], [sflag:$0x1] =	stream.indirect.gather [hbm4b:s6+s10], $0x40, s4, s10, $0xb8;
	[tilespmem:$0x19640] =	vst v63  }
0x17: {  	s11 =	simm.s32 $0x1A40  }
0x18: {  	[tilespmem:s11], [sflag:$0x1] =	stream.indirect.gather [hbm4b:s6+s10], $0x40, s10, s10, $0xb8;
	[tilespmem:$0x19640] =	vst v63  }
0x19: {  	s12 =	simm.s32 $0xA0;
	s8 =	simm.s32 $0x2E40  }
0x1a: {  	[tilespmem:s8], [sflag:$0x1] =	stream.indirect.gather [hbm4b:s6+s10], $0x40, s12, s10, $0xb8;
	[tilespmem:$0x19640] =	vst v63  }
0x1b: {  	s13 =	simm.s32 $0xF0;
	s14 =	simm.s32 $0x4240  }
0x1c: {  	[tilespmem:s14], [sflag:$0x1] =	stream.indirect.gather [hbm4b:s6+s10], $0x40, s13, s10, $0xb8;
	[tilespmem:$0x19640] =	vst v63  }
0x1d: {  	s11 =	simm.s32 $0x140;
	s12 =	simm.s32 $0x5640  }
0x1e: {  	[tilespmem:s12], [sflag:$0x1] =	stream.indirect.gather [hbm4b:s6+s10], $0x40, s11, s10, $0xb8;
	[tilespmem:$0x19640] =	vst v63  }
0x1f: {  	s13 =	simm.s32 $0x190;
	s14 =	simm.s32 $0x6A40  }
0x20: {  	[tilespmem:s14], [sflag:$0x1] =	stream.indirect.gather [hbm4b:s6+s10], $0x40, s13, s10, $0xb8;
	[tilespmem:$0x19640] =	vst v63  }
0x21: {  	s11 =	simm.s32 $0x1E0;
	s12 =	simm.s32 $0x7E40  }
0x22: {  	[tilespmem:s12], [sflag:$0x1] =	stream.indirect.gather [hbm4b:s6+s10], $0x40, s11, s10, $0xb8;
	[tilespmem:$0x19640] =	vst v63  }
0x23: {  	s13 =	simm.s32 $0x230;
	s14 =	simm.s32 $0x9240  }
0x24: {  	[tilespmem:s14], [sflag:$0x1] =	stream.indirect.gather [hbm4b:s6+s10], $0x40, s13, s10, $0xb8;
	[tilespmem:$0x19640] =	vst v63  }
0x25: {  	s11 =	simm.s32 $0x280;
	s12 =	simm.s32 $0xA640  }
0x26: {  	[tilespmem:s12], [sflag:$0x1] =	stream.indirect.gather [hbm4b:s6+s10], $0x40, s11, s10, $0xb8;
	[tilespmem:$0x19640] =	vst v63  }
0x27: {  	s8 =	simm.s32 $0x0;
	s13 =	simm.s32 $0x2D0;
	s14 =	simm.s32 $0xBA40  }
0x28: {  	[tilespmem:s14], [sflag:$0x1] =	stream.indirect.gather [hbm4b:s6+s10], $0x40, s13, s10, $0xb8;
	[tilespmem:$0x19640] =	vst v63  }
.LBB2_2:
0x29: {  	s0 =	smul.u32 $0x640, s8;
	_ =	swait.ge [sflag:s30], $0xC800  }
0x2a: {  	p0 =	seq.s32 s8, $0x0;
	[sflag:s30] =	ssyncset.done $0x0  }
0x2b: {  	s12 =	simm.s32 @!p0 $0x4;
	s0 =	sadd.s32 s5, s0;
	[sflag:s30] =	ssyncadd.s32 $0xFFFF3800  }
0x2c: {  	s11 =	sadd.s32 $0x320, s0;
	_ =	swait.ge @!p0 [sflag:s12], $0xC800  }
0x2d: {  	[sflag:s12] =	ssyncset.done @!p0 $0x0;
	s13 =	sshrl.u32 s11, $0x3  }
0x2e: {  	s14 =	simm.s32 $0x0;
	[sflag:s12] =	ssyncadd.s32 @!p0 $0xFFFF3800;
	s13 =	sadd.s32 s1, s13  }
0x2f: {  	[tilespmem:s31], [sflag:$0x5] =	stream.linear.gather [hbm4b:s13+s14], $0x320, $0x38;
	[tilespmem:$0x19640] =	vst v63  }
0x30: {  	_ =	swait.ge [sflag:s9], $0x320  }
0x31: {  	[sflag:s9] =	ssyncset.done $0x0  }
0x32: {  	[sflag:s9] =	ssyncadd.s32 $0xFFFFFCE0  }
0x33: {  	[tilespmem:s2], [sflag:$0x2] =	stream.indirect.gather [hbm4b:s6+s10], $0x40, s31, s10, $0xb8;
	[tilespmem:$0x19640] =	vst v63  }
0x34: {  	s13 =	simm.s32 $0x370;
	s14 =	simm.s32 $0xE240  }
0x35: {  	[tilespmem:s14], [sflag:$0x2] =	stream.indirect.gather [hbm4b:s6+s10], $0x40, s13, s10, $0xb8;
	[tilespmem:$0x19640] =	vst v63  }
0x36: {  	s13 =	simm.s32 $0x3C0;
	s14 =	simm.s32 $0xF640  }
0x37: {  	[tilespmem:s14], [sflag:$0x2] =	stream.indirect.gather [hbm4b:s6+s10], $0x40, s13, s10, $0xb8;
	[tilespmem:$0x19640] =	vst v63  }
0x38: {  	_ = 	snop  }
0x39: {  	[tilespmem:s16], [sflag:$0x2] =	stream.indirect.gather [hbm4b:s6+s10], $0x40, s15, s10, $0xb8;
	[tilespmem:$0x19640] =	vst v63  }
0x3a: {  	_ = 	snop  }
0x3b: {  	[tilespmem:s18], [sflag:$0x2] =	stream.indirect.gather [hbm4b:s6+s10], $0x40, s17, s10, $0xb8;
	[tilespmem:$0x19640] =	vst v63  }
0x3c: {  	_ = 	snop  }
0x3d: {  	[tilespmem:s20], [sflag:$0x2] =	stream.indirect.gather [hbm4b:s6+s10], $0x40, s19, s10, $0xb8;
	[tilespmem:$0x19640] =	vst v63  }
0x3e: {  	_ = 	snop  }
0x3f: {  	[tilespmem:s22], [sflag:$0x2] =	stream.indirect.gather [hbm4b:s6+s10], $0x40, s21, s10, $0xb8;
	[tilespmem:$0x19640] =	vst v63  }
0x40: {  	_ = 	snop  }
0x41: {  	[tilespmem:s24], [sflag:$0x2] =	stream.indirect.gather [hbm4b:s6+s10], $0x40, s23, s10, $0xb8;
	[tilespmem:$0x19640] =	vst v63  }
0x42: {  	_ = 	snop  }
0x43: {  	[tilespmem:s26], [sflag:$0x2] =	stream.indirect.gather [hbm4b:s6+s10], $0x40, s25, s10, $0xb8;
	[tilespmem:$0x19640] =	vst v63  }
0x44: {  	s12 =	simm.s32 $0x0  }
0x45: {  	[tilespmem:s29], [sflag:$0x2] =	stream.indirect.gather [hbm4b:s6+s10], $0x40, s28, s10, $0xb8;
	[tilespmem:$0x19640] =	vst v63  }
0x46: {  	v0 =	vld [tilespmem:s12+$0x640]  }
0x47: {  	v1 =	vld [tilespmem:s12+$0x650]  }
0x48: {  	v2 =	vld [tilespmem:s12+$0x660]  }
0x49: {  	v3 =	vld [tilespmem:s12+$0x670]  }
0x4a: {  	v4 =	vld [tilespmem:s12+$0x680]  }
0x4b: {  	v5 =	vld [tilespmem:s12+$0x690];
	v0 =	vmul.f32 $8.000000000e+00, v0  }
0x4c: {  	v6 =	vld [tilespmem:s12+$0x6A0];
	v1 =	vmul.f32 $8.000000000e+00, v1  }
0x4d: {  	v7 =	vld [tilespmem:s12+$0x6B0];
	[tilespmem:s12+$0x640] =	vst v0;
	v0 =	vmul.f32 $8.000000000e+00, v2  }
0x4e: {  	v8 =	vld [tilespmem:s12+$0x6C0];
	[tilespmem:s12+$0x650] =	vst v1;
	v1 =	vmul.f32 $8.000000000e+00, v3  }
0x4f: {  	v9 =	vld [tilespmem:s12+$0x6D0];
	[tilespmem:s12+$0x660] =	vst v0;
	v0 =	vmul.f32 $8.000000000e+00, v4  }
0x50: {  	v2 =	vmul.f32 $8.000000000e+00, v5;
	[tilespmem:s12+$0x670] =	vst v1;
	v1 =	vld [tilespmem:s12+$0x6E0]  }
0x51: {  	v3 =	vmul.f32 $8.000000000e+00, v6;
	[tilespmem:s12+$0x680] =	vst v0;
	v0 =	vld [tilespmem:s12+$0x6F0]  }
0x52: {  	[tilespmem:s12+$0x690] =	vst v2;
	v2 =	vld [tilespmem:s12+$0x700];
	v4 =	vmul.f32 $8.000000000e+00, v7  }
0x53: {  	v6 =	vmul.f32 $8.000000000e+00, v8;
	[tilespmem:s12+$0x6A0] =	vst v3;
	v3 =	vld [tilespmem:s12+$0x710]  }
0x54: {  	s13 =	simm.s32 $0x400;
	v5 =	vmul.f32 $8.000000000e+00, v9;
	[tilespmem:s12+$0x6B0] =	vst v4;
	v4 =	vld [tilespmem:s12+$0x720]  }
.LBB2_3:
0x55: {  	s14 =	sshra.s32 s13, $0x2;
	p0 =	sne.s32 s13, $0x31C00;
	[tilespmem:s12+$0x6C0] =	vst v6;
	v1 =	vmul.f32 $8.000000000e+00, v1;
	v6 =	vld [tilespmem:s12+$0x730]  }
0x56: {  	v7 =	vld [tilespmem:s14+$0x640];
	[tilespmem:s12+$0x6D0] =	vst v5;
	v0 =	vmul.f32 $8.000000000e+00, v0  }
0x57: {  	v5 =	vld [tilespmem:s14+$0x650];
	[tilespmem:s12+$0x6E0] =	vst v1;
	v1 =	vmul.f32 $8.000000000e+00, v2  }
0x58: {  	v2 =	vld [tilespmem:s14+$0x660];
	[tilespmem:s12+$0x6F0] =	vst v0;
	v0 =	vmul.f32 $8.000000000e+00, v3  }
0x59: {  	v3 =	vld [tilespmem:s14+$0x670];
	[tilespmem:s12+$0x700] =	vst v1;
	v1 =	vmul.f32 $8.000000000e+00, v4  }
0x5a: {  	v4 =	vld [tilespmem:s14+$0x680];
	[tilespmem:s12+$0x710] =	vst v0;
	v0 =	vmul.f32 $8.000000000e+00, v6  }
0x5b: {  	v6 =	vmul.f32 $8.000000000e+00, v7;
	v7 =	vld [tilespmem:s14+$0x690];
	[tilespmem:s12+$0x720] =	vst v1  }
0x5c: {  	v1 =	vmul.f32 $8.000000000e+00, v5;
	v5 =	vld [tilespmem:s14+$0x6A0];
	[tilespmem:s12+$0x730] =	vst v0;
	s12 =	smov.u32 s14  }
0x5d: {  	[tilespmem:s12+$0x640] =	vst v6;
	v0 =	vmul.f32 $8.000000000e+00, v2;
	v2 =	vld [tilespmem:s12+$0x6B0]  }
0x5e: {  	[tilespmem:s12+$0x650] =	vst v1;
	v1 =	vmul.f32 $8.000000000e+00, v3;
	v3 =	vld [tilespmem:s12+$0x6C0]  }
0x5f: {  	[tilespmem:s12+$0x660] =	vst v0;
	v0 =	vmul.f32 $8.000000000e+00, v4;
	v4 =	vld [tilespmem:s12+$0x6D0]  }
.Ltmp0:
0x60: {  	[tilespmem:s12+$0x670] =	vst v1;
	v6 =	vmul.f32 $8.000000000e+00, v7;
	v1 =	vld [tilespmem:s12+$0x6E0];
	(pc) =	sbr.rel @p0 .LBB2_3-.Ltmp0, $4  }
0x61: {  	[tilespmem:s12+$0x680] =	vst v0;
	v5 =	vmul.f32 $8.000000000e+00, v5;
	v0 =	vld [tilespmem:s12+$0x6F0]  }
0x62: {  	[tilespmem:s12+$0x690] =	vst v6;
	v7 =	vmul.f32 $8.000000000e+00, v2;
	v2 =	vld [tilespmem:s12+$0x700]  }
0x63: {  	[tilespmem:s12+$0x6A0] =	vst v5;
	v6 =	vmul.f32 $8.000000000e+00, v3;
	v3 =	vld [tilespmem:s12+$0x710]  }
0x64: {  	s13 =	sadd.s32 $0x400, s13;
	[tilespmem:s12+$0x6B0] =	vst v7;
	v5 =	vmul.f32 $8.000000000e+00, v4;
	v4 =	vld [tilespmem:s12+$0x720]  }
0x65: {  	[tilespmem:s12+$0x6C0] =	vst v6;
	v1 =	vmul.f32 $8.000000000e+00, v1;
	v6 =	vld [tilespmem:s12+$0x730]  }
0x66: {  	[tilespmem:s12+$0x6D0] =	vst v5;
	v0 =	vmul.f32 $8.000000000e+00, v0  }
0x67: {  	[tilespmem:s12+$0x6E0] =	vst v1;
	v1 =	vmul.f32 $8.000000000e+00, v2  }
0x68: {  	[tilespmem:s12+$0x6F0] =	vst v0;
	v0 =	vmul.f32 $8.000000000e+00, v3  }
0x69: {  	[tilespmem:s12+$0x700] =	vst v1;
	v1 =	vmul.f32 $8.000000000e+00, v4  }
0x6a: {  	[tilespmem:s12+$0x710] =	vst v0;
	v0 =	vmul.f32 $8.000000000e+00, v6  }
0x6b: {  	s13 =	sshll.u32 s0, $0x3;
	[tilespmem:s12+$0x720] =	vst v1  }
0x6c: {  	s14 =	simm.s32 $0x640;
	s13 =	sadd.s32 s3, s13;
	[tilespmem:s12+$0x730] =	vst v0  }
0x6d: {  	[hbm4b:s13+s4] =	stream.linear.scatter [tilespmem:s14], [sflag:$0x3], $0xC800, $0x38;
	[tilespmem:$0x19640] =	vst v63  }
0x6e: {  	_ =	swait.ge [sflag:s7], $0xC800  }
0x6f: {  	p0 =	seq.s32 s8, $0xF;
	[sflag:s7] =	ssyncset.done $0x0  }
0x70: {  	s12 =	simm.s32 @!p0 $0x3;
	[sflag:s7] =	ssyncadd.s32 $0xFFFF3800  }
0x71: {  	s0 =	sshrl.u32 @!p0 s0, $0x3;
	_ =	swait.ge @!p0 [sflag:s12], $0xC800  }
0x72: {  	s0 =	sadd.s32 @!p0 s1, s0;
	[sflag:s12] =	ssyncset.done @!p0 $0x0  }
0x73: {  	s0 =	sadd.s32 @!p0 $0xC8, s0;
	[sflag:s12] =	ssyncadd.s32 @!p0 $0xFFFF3800;
	s12 =	simm.s32 @!p0 $0x0  }
0x74: {  	[tilespmem:s12], [sflag:$0x5] =	stream.linear.gather @!p0 [hbm4b:s0+s12], $0x320, $0x38;
	[tilespmem:$0x19640] =	vst v63  }
0x75: {  	s0 =	simm.s32 @!p0 $0x5  }
0x76: {  	_ =	swait.ge @!p0 [sflag:s0], $0x320  }
0x77: {  	[sflag:s0] =	ssyncset.done @!p0 $0x0  }
0x78: {  	s13 =	simm.s32 @!p0 $0x640;
	[sflag:s0] =	ssyncadd.s32 @!p0 $0xFFFFFCE0;
	s0 =	simm.s32 @!p0 $0x50  }
0x79: {  	[tilespmem:s13], [sflag:$0x1] =	stream.indirect.gather @!p0 [hbm4b:s6+s0], $0x40, s12, s0, $0xb8;
	[tilespmem:$0x19640] =	vst v63  }
0x7a: {  	s12 =	simm.s32 @!p0 $0x1A40  }
0x7b: {  	[tilespmem:s12], [sflag:$0x1] =	stream.indirect.gather @!p0 [hbm4b:s6+s0], $0x40, s0, s0, $0xb8;
	[tilespmem:$0x19640] =	vst v63  }
0x7c: {  	s13 =	simm.s32 @!p0 $0x2E40;
	s12 =	simm.s32 @!p0 $0xA0  }
0x7d: {  	[tilespmem:s13], [sflag:$0x1] =	stream.indirect.gather @!p0 [hbm4b:s6+s0], $0x40, s12, s0, $0xb8;
	[tilespmem:$0x19640] =	vst v63  }
0x7e: {  	s12 =	simm.s32 @!p0 $0xF0;
	s13 =	simm.s32 @!p0 $0x4240  }
0x7f: {  	[tilespmem:s13], [sflag:$0x1] =	stream.indirect.gather @!p0 [hbm4b:s6+s0], $0x40, s12, s0, $0xb8;
	[tilespmem:$0x19640] =	vst v63  }
0x80: {  	s12 =	simm.s32 @!p0 $0x140;
	s13 =	simm.s32 @!p0 $0x5640  }
0x81: {  	[tilespmem:s13], [sflag:$0x1] =	stream.indirect.gather @!p0 [hbm4b:s6+s0], $0x40, s12, s0, $0xb8;
	[tilespmem:$0x19640] =	vst v63  }
0x82: {  	s12 =	simm.s32 @!p0 $0x190;
	s13 =	simm.s32 @!p0 $0x6A40  }
0x83: {  	[tilespmem:s13], [sflag:$0x1] =	stream.indirect.gather @!p0 [hbm4b:s6+s0], $0x40, s12, s0, $0xb8;
	[tilespmem:$0x19640] =	vst v63  }
0x84: {  	s12 =	simm.s32 @!p0 $0x1E0;
	s13 =	simm.s32 @!p0 $0x7E40  }
0x85: {  	[tilespmem:s13], [sflag:$0x1] =	stream.indirect.gather @!p0 [hbm4b:s6+s0], $0x40, s12, s0, $0xb8;
	[tilespmem:$0x19640] =	vst v63  }
0x86: {  	s12 =	simm.s32 @!p0 $0x230;
	s13 =	simm.s32 @!p0 $0x9240  }
0x87: {  	[tilespmem:s13], [sflag:$0x1] =	stream.indirect.gather @!p0 [hbm4b:s6+s0], $0x40, s12, s0, $0xb8;
	[tilespmem:$0x19640] =	vst v63  }
0x88: {  	s12 =	simm.s32 @!p0 $0x280;
	s13 =	simm.s32 @!p0 $0xA640  }
0x89: {  	[tilespmem:s13], [sflag:$0x1] =	stream.indirect.gather @!p0 [hbm4b:s6+s0], $0x40, s12, s0, $0xb8;
	[tilespmem:$0x19640] =	vst v63  }
0x8a: {  	s12 =	simm.s32 @!p0 $0x2D0;
	s13 =	simm.s32 @!p0 $0xBA40  }
0x8b: {  	[tilespmem:s13], [sflag:$0x1] =	stream.indirect.gather @!p0 [hbm4b:s6+s0], $0x40, s12, s0, $0xb8;
	[tilespmem:$0x19640] =	vst v63  }
0x8c: {  	s0 =	simm.s32 $0x0  }
0x8d: {  	v0 =	vld [tilespmem:s0+$0xCE40]  }
0x8e: {  	v1 =	vld [tilespmem:s0+$0xCE50]  }
0x8f: {  	v2 =	vld [tilespmem:s0+$0xCE60]  }
0x90: {  	v3 =	vld [tilespmem:s0+$0xCE70]  }
0x91: {  	v4 =	vld [tilespmem:s0+$0xCE80]  }
0x92: {  	v5 =	vld [tilespmem:s0+$0xCE90];
	v0 =	vmul.f32 $8.000000000e+00, v0  }
0x93: {  	v6 =	vld [tilespmem:s0+$0xCEA0];
	v1 =	vmul.f32 $8.000000000e+00, v1  }
0x94: {  	v7 =	vld [tilespmem:s0+$0xCEB0];
	[tilespmem:s0+$0xCE40] =	vst v0;
	v0 =	vmul.f32 $8.000000000e+00, v2  }
0x95: {  	v8 =	vld [tilespmem:s0+$0xCEC0];
	[tilespmem:s0+$0xCE50] =	vst v1;
	v1 =	vmul.f32 $8.000000000e+00, v3  }
0x96: {  	v9 =	vld [tilespmem:s0+$0xCED0];
	[tilespmem:s0+$0xCE60] =	vst v0;
	v0 =	vmul.f32 $8.000000000e+00, v4  }
0x97: {  	v2 =	vmul.f32 $8.000000000e+00, v5;
	[tilespmem:s0+$0xCE70] =	vst v1;
	v1 =	vld [tilespmem:s0+$0xCEE0]  }
0x98: {  	v3 =	vmul.f32 $8.000000000e+00, v6;
	[tilespmem:s0+$0xCE80] =	vst v0;
	v0 =	vld [tilespmem:s0+$0xCEF0]  }
0x99: {  	[tilespmem:s0+$0xCE90] =	vst v2;
	v2 =	vld [tilespmem:s0+$0xCF00];
	v4 =	vmul.f32 $8.000000000e+00, v7  }
0x9a: {  	v6 =	vmul.f32 $8.000000000e+00, v8;
	[tilespmem:s0+$0xCEA0] =	vst v3;
	v3 =	vld [tilespmem:s0+$0xCF10]  }
0x9b: {  	s12 =	simm.s32 $0x400;
	v5 =	vmul.f32 $8.000000000e+00, v9;
	[tilespmem:s0+$0xCEB0] =	vst v4;
	v4 =	vld [tilespmem:s0+$0xCF20]  }
.LBB2_5:
0x9c: {  	s13 =	sshra.s32 s12, $0x2;
	p0 =	sne.s32 s12, $0x31C00;
	[tilespmem:s0+$0xCEC0] =	vst v6;
	v1 =	vmul.f32 $8.000000000e+00, v1;
	v6 =	vld [tilespmem:s0+$0xCF30]  }
0x9d: {  	v7 =	vld [tilespmem:s13+$0xCE40];
	[tilespmem:s0+$0xCED0] =	vst v5;
	v0 =	vmul.f32 $8.000000000e+00, v0  }
0x9e: {  	v5 =	vld [tilespmem:s13+$0xCE50];
	[tilespmem:s0+$0xCEE0] =	vst v1;
	v1 =	vmul.f32 $8.000000000e+00, v2  }
0x9f: {  	v2 =	vld [tilespmem:s13+$0xCE60];
	[tilespmem:s0+$0xCEF0] =	vst v0;
	v0 =	vmul.f32 $8.000000000e+00, v3  }
0xa0: {  	v3 =	vld [tilespmem:s13+$0xCE70];
	[tilespmem:s0+$0xCF00] =	vst v1;
	v1 =	vmul.f32 $8.000000000e+00, v4  }
0xa1: {  	v4 =	vld [tilespmem:s13+$0xCE80];
	[tilespmem:s0+$0xCF10] =	vst v0;
	v0 =	vmul.f32 $8.000000000e+00, v6  }
0xa2: {  	v6 =	vmul.f32 $8.000000000e+00, v7;
	v7 =	vld [tilespmem:s13+$0xCE90];
	[tilespmem:s0+$0xCF20] =	vst v1  }
0xa3: {  	v1 =	vmul.f32 $8.000000000e+00, v5;
	v5 =	vld [tilespmem:s13+$0xCEA0];
	[tilespmem:s0+$0xCF30] =	vst v0;
	s0 =	smov.u32 s13  }
0xa4: {  	[tilespmem:s0+$0xCE40] =	vst v6;
	v0 =	vmul.f32 $8.000000000e+00, v2;
	v2 =	vld [tilespmem:s0+$0xCEB0]  }
0xa5: {  	[tilespmem:s0+$0xCE50] =	vst v1;
	v1 =	vmul.f32 $8.000000000e+00, v3;
	v3 =	vld [tilespmem:s0+$0xCEC0]  }
0xa6: {  	[tilespmem:s0+$0xCE60] =	vst v0;
	v0 =	vmul.f32 $8.000000000e+00, v4;
	v4 =	vld [tilespmem:s0+$0xCED0]  }
.Ltmp1:
0xa7: {  	[tilespmem:s0+$0xCE70] =	vst v1;
	v6 =	vmul.f32 $8.000000000e+00, v7;
	v1 =	vld [tilespmem:s0+$0xCEE0];
	(pc) =	sbr.rel @p0 .LBB2_5-.Ltmp1, $4  }
0xa8: {  	[tilespmem:s0+$0xCE80] =	vst v0;
	v5 =	vmul.f32 $8.000000000e+00, v5;
	v0 =	vld [tilespmem:s0+$0xCEF0]  }
0xa9: {  	[tilespmem:s0+$0xCE90] =	vst v6;
	v7 =	vmul.f32 $8.000000000e+00, v2;
	v2 =	vld [tilespmem:s0+$0xCF00]  }
0xaa: {  	[tilespmem:s0+$0xCEA0] =	vst v5;
	v6 =	vmul.f32 $8.000000000e+00, v3;
	v3 =	vld [tilespmem:s0+$0xCF10]  }
0xab: {  	s12 =	sadd.s32 $0x400, s12;
	[tilespmem:s0+$0xCEB0] =	vst v7;
	v5 =	vmul.f32 $8.000000000e+00, v4;
	v4 =	vld [tilespmem:s0+$0xCF20]  }
0xac: {  	[tilespmem:s0+$0xCEC0] =	vst v6;
	v1 =	vmul.f32 $8.000000000e+00, v1;
	v59 =	vld [tilespmem:s0+$0xCF30]  }
0xad: {  	[tilespmem:s0+$0xCED0] =	vst v5;
	v0 =	vmul.f32 $8.000000000e+00, v0  }
0xae: {  	s8 =	sadd.s32 $0x1, s8;
	[tilespmem:s0+$0xCEE0] =	vst v1;
	v60 =	vmul.f32 $8.000000000e+00, v2  }
0xaf: {  	p0 =	sne.s32 s8, $0x10;
	[tilespmem:s0+$0xCEF0] =	vst v0;
	v61 =	vmul.f32 $8.000000000e+00, v3  }
.Ltmp2:
0xb0: {  	[tilespmem:s0+$0xCF00] =	vst v60;
	v62 =	vmul.f32 $8.000000000e+00, v4;
	(pc) =	sbr.rel @p0 .LBB2_2-.Ltmp2, $4  }
0xb1: {  	s11 =	sshll.u32 s11, $0x3;
	[tilespmem:s0+$0xCF10] =	vst v61;
	v63 =	vmul.f32 $8.000000000e+00, v59  }
0xb2: {  	s11 =	sand.u32 $0x1FFFFF00, s11;
	[tilespmem:s0+$0xCF20] =	vst v62  }
0xb3: {  	s14 =	sadd.s32 s3, s11;
	[tilespmem:s0+$0xCF30] =	vst v63  }
0xb4: {  	[hbm4b:s14+s4] =	stream.linear.scatter [tilespmem:s2], [sflag:$0x4], $0xC800, $0x38;
	[tilespmem:$0x19640] =	vst v63  }
0xb5: {  	s0 =	simm.s32 $0x3  }
0xb6: {  	_ =	swait.ge [sflag:s0], $0xC800  }
0xb7: {  	[sflag:s0] =	ssyncset.done $0x0  }
0xb8: {  	s8 =	simm.s32 $0x4;
	[sflag:s0] =	ssyncadd.s32 $0xFFFF3800  }
0xb9: {  	_ =	swait.ge [sflag:s8], $0xC800  }
0xba: {  	s11 =	rddreg [dreg:$0x6]  }
0xbb: {  	s14 =	rddreg [dreg:$0x5];
	s11 =	sadd.s32 $0x1, s11  }
0xbc: {  	p0 =	sne.s32 s11, s14  }
.Ltmp3:
0xbd: {  	_ = 	snop;
	(pc) =	sbr.rel @p0 .LBB2_1-.Ltmp3, $3  }
0xbe: {  	_ =	sdelay $0x1  }
0xbf: {  	[sflag:s8] =	ssyncset.done $0x0  }
0xc0: {  	[sflag:s8] =	ssyncadd.s32 $0xFFFF3800  }
0xc1: {  	_ =	sfence.sel $0x180000  }
0xc2: {  	[bflag:$0x0] =	sbarrier.arrive $0xFFFF  }
0xc3: {  	_ =	strace $0x90000047  }
0xc4: {  	s0 =	stileid.u32;
	[bflag:$0x2] =	sbarrier.arrive $0xFFFF  }
0xc5: {  	p0 =	sne.s32 s0, $0x0;
	s0 =	rddreg [dreg:$0x3]  }
0xc6: {  	s0 =	sadd.s32 @!p0 $0x100000, s0  }
0xc7: {  	[sflag:s0] =	ssyncadd.tile.s32 @!p0 $0x1;
	_ =	shalt  }
.Lfunc_end2:
_tile_overlayer_lowered:
.L_overlay_start_2:
0xc8: {  	(tag) =	ssettag $0x2  }
0xc9: {  	s0 =	rddreg [dreg:$0x0];
	s2 =	stileid.u32  }
0xca: {  	s1 =	rddreg [dreg:$0x1];
	p0 =	sne.s32 s2, $0x0  }
0xcb: {  	s3 =	rddreg [dreg:$0x2];
	[bflag:$0x3] =	sbarrier.arrive $0xFFFF;
	s2 =	simm.s32 @!p0 $0x1C05  }
0xcc: {  	[timem:s3], [sflag:s2] =	dma.local @!p0 [hbm:s0], s1  }
0xcd: {  	s0 =	simm.s32 @!p0 $0x5  }
0xce: {  	_ =	swait.ge @!p0 [sflag:s0], s1  }
0xcf: {  	s1 =	ssub.s32 @!p0 $0x0, s1;
	[sflag:s0] =	ssyncset.done @!p0 $0x0  }
0xd0: {  	[sflag:s0] =	ssyncadd.s32 @!p0 s1  }
0xd1: {  	[bflag:$0x3] =	sbarrier.arrive $0xFFFF  }
0xd2: {  	_ =	shalt  }

// kernel: sparse-core-data-format-call.cloned.1.call-start
scs
called_computation_lowered:
.L_overlay_start_0:
0x0: {  	s2 =	sld [smem:$0x3FD9]  }
0x1: {  	s3 =	sld [smem:$0x3FFE];
	_ =	sdelay $0x1  }
0x2: {  	s1 =	srdreg.scid  }
0x3: {  	s0 =	sand.u32 $0x1, s1  }
0x4: {  	s18 =	sshll.u32 s0, $0xA;
	s2 =	sadd.s32 s3, s2  }
0x5: {  	s2 =	sadd.s32 s2, s18  }
0x6: {  	[smem:$0x3FC6] =	sst s2  }
0x7: {  	_ = 	snop  }
0x8: {  	s2 =	sld [smem:$0x3FD0];
	(tm) =	ssettm $0x1  }
0x9: {  	s19 =	sld [smem:$0x3FFB];
	_ =	sdelay $0x3  }
0xa: {  	_ =	strace s19  }
0xb: {  	s3 =	sld [smem:$0x3FFC];
	_ =	sdelay $0x3  }
0xc: {  	_ =	strace s3  }
0xd: {  	s3 =	sld [smem:$0x3FFD];
	_ =	sdelay $0x3  }
0xe: {  	_ =	strace s3  }
0xf: {  	_ =	strace $0x8FFFFFFF  }
0x10: {  	s20 =	sld [smem:$0x3FDB];
	_ =	sdelay $0x1  }
0x11: {  	s4 =	simm.s32 $_scs_section_size  }
0x12: {  	s5 =	simm.s32 $_size__tile_overlayer_lowered;
	s6 =	simm.s32 $_tile_overlayer_lowered  }
0x13: {  	s23 =	simm.s32 $0x1BFF;
	s22 =	sshll.u32 s6, $0x1;
	s3 =	sadd.s32 s4, s20  }
0x14: {  	s7 =	simm.s32 $0x0;
	s21 =	sshll.u32 s5, $0x1;
	s5 =	sadd.s32 s22, s3  }
0x15: {  	[timem:s7], [sflag:s23] =	dma.local [hbm:s5], s21  }
0x16: {  	_ =	swait.ge [sflag:s23], s21  }
0x17: {  	s4 =	ssub.s32 $0x0, s21;
	[sflag:s23] =	ssyncset.done $0x0  }
0x18: {  	[sflag:s23] =	ssyncadd.s32 s4;
	_ =	sdelay $0x1  }
0x19: {  	s24 =	simm.s32 $0x1B8B  }
0x1a: {  	_ =	swait.ge [sflag:s24], $0x1  }
0x1b: {  	[sflag:s24] =	ssyncset.done $0x0  }
0x1c: {  	s26 =	simm.s32 $0x1B8E;
	s25 =	sld [smem:$0x3FFE];
	[sflag:s24] =	ssyncadd.s32 $0xFFFFFFFF  }
0x1d: {  	s27 =	simm.s32 $execute0_lowered;
	[smem:$0x3FD2] =	sst s26  }
0x1e: {  	s5 =	sshll.u32 s27, $0x1;
	_ =	strace $0x80000049;
	[dreg:$0x1] =	wrdreg $0xFFFFFFFF  }
0x1f: {  	s28 =	simm.s32 $_size_execute0_lowered;
	s3 =	sadd.s32 s3, s5;
	[dreg:$0x0] =	wrdreg $0x0  }
0x20: {  	s5 =	sshll.u32 s28, $0x1;
	[dreg:$0x2] =	wrdreg s3  }
0x21: {  	[dreg:$0x3] =	wrdreg s5  }
0x22: {  	[dreg:$0x4] =	wrdreg $0xC0  }
0x23: {  	_ =	task [dreg:s7], $0x5FFFF  }
0x24: {  	[dreg:$0x1] =	wrdreg $0xFFFFFFFF  }
0x25: {  	[dreg:$0x0] =	wrdreg $0x60  }
0x26: {  	[dreg:$0x2] =	wrdreg s25  }
0x27: {  	[dreg:$0x3] =	wrdreg s2  }
0x28: {  	[dreg:$0x4] =	wrdreg $0x9  }
0x29: {  	_ =	task.clear_ibuf [dreg:s7], $0x5FFFF;
	_ =	strace $0x90000049  }
0x2a: {  	s29 =	simm.s32 $0x9;
	_ =	strace $0x8000004B  }
0x2b: {  	_ =	swait.ge [sflag:s29], $0x1  }
0x2c: {  	[sflag:s29] =	ssyncadd.s32 $0xFFFFFFFF  }
0x2d: {  	_ =	strace $0x9000004B  }
0x2e: {  	_ =	sfence  }
0x2f: {  	s30 =	sld [smem:$0x0];
	_ =	sdelay $0x2  }
0x30: {  	s31 =	sshll.u32 s1, $0xD;
	s1 =	sshrl.u32 s1, $0x2  }
0x31: {  	s3 =	sand.u32 $0x4000, s31;
	s1 =	sadd.s32 s1, s30  }
0x32: {  	s0 =	sor.u32 s3, s0;
	s1 =	sshll.u32 s1, $0x11  }
0x33: {  	s0 =	sor.u32 s1, s0  }
0x34: {  	s0 =	sadd.s32 $0x8F2B, s0  }
0x35: {  	[sflag:s0] =	ssyncadd.remote.s32 $0x1  }
0x36: {  	_ =	sfence.sel $0xFFFF  }
0x37: {  	[dreg:$0x0] =	wrdreg $0xFFFFFFFF;
	(pc) =	sbr.abs _section_cstart, $3  }
0x38: {  	[dreg:$0x1] =	wrdreg $0xFFFFFFFF  }
0x39: {  	_ =	task.clear_ibuf [dreg:s7], $0x2FFFF;
	_ =	strace $0x9FFFFFFF  }
0x3a: {  	(tm) =	ssettm $0x7FFFFFFF  }
0x3b: {  	_ =	shalt  }
tec
execute0_lowered:
.L_overlay_start_1:
0x0: {  	(tag) =	ssettag $0x1  }
0x1: {  	s0 =	srdreg.scid  }
0x2: {  	s1 =	sshll.u32 s0, $0x4  }
0x3: {  	s4 =	rddreg [dreg:$0x0];
	s0 =	stileid.u32;
	s1 =	sand.u32 $0x10, s1  }
0x4: {  	s2 =	rddreg [dreg:$0x1];
	s7 =	simm.s32 $0x1;
	s1 =	sor.u32 s0, s1  }
0x5: {  	s8 =	simm.s32 $0x2;
	s11 =	simm.s32 $0x0;
	s3 =	sshll.u32 s1, $0x7  }
0x6: {  	s10 =	simm.s32 $0x0;
	s4 =	sadd.s32 $0x800, s4;
	s6 =	ssub.s32 $0xC8000, s3  }
.Ltmp0:
0x7: {  	s1 =	rddreg [dreg:$0x2];
	s5 =	sand.u32 $0xF80, s6;
	(pc) =	sbr.rel .LBB1_1-.Ltmp0, $4  }
0x8: {  	_ =	strace $0x8000004A;
	s9 =	smov.u32 s3;
	p0 =	sne.s32 s5, $0x0  }
0x9: {  	s6 =	sshrl.u32 s6, $0xC;
	s5 =	simm.s32 $0x1;
	s7 =	simm.s32 @!p0 $0x0  }
0xa: {  	[sflag:s5] =	ssyncpa.u1 $0x0;
	p0 =	por $0x0, $0x0;
	s6 =	sadd.s32 s7, s6  }
0xb: {  	[sflag:s8] =	ssyncpa.u1 $0x0;
	s8 =	simm.s32 $0x640000;
	s7 =	sadd.s32 $0x1, s6  }
.LBB1_4:
0xc: {  	s14 =	sshll.u32 s11, $0x3  }
0xd: {  	s30 =	sand.u32 $0x7F, s11;
	s15 =	sand.u32 $0xFFFFFC00, s14  }
0xe: {  	s11 =	sor.u32 s30, s15  }
0xf: {  	s15 =	smulhi.u32 $0x51EB851F, s11  }
0x10: {  	s14 =	smulhi.u32 $0x51EB851F, s14  }
0x11: {  	s15 =	sshrl.u32 s15, $0x12  }
0x12: {  	s14 =	sshrl.u32 s14, $0x12;
	s15 =	smul.u32 $0xC8000, s15  }
0x13: {  	s14 =	sand.u32 $0x3F, s14  }
0x14: {  	s14 =	smul.u32 $0x19000, s14;
	s11 =	ssub.s32 s11, s15  }
0x15: {  	[tilespmem:s13+$0x810 ss:$0x81] =	vst.msk $0xffff, v2;
	s15 =	sand.u32 $0x7, s11  }
0x16: {  	[tilespmem:s13+$0x1020 ss:$0x81] =	vst.msk $0xffff, v0;
	s14 =	sadd.s32 s2, s14;
	s11 =	sshrl.u32 s11, $0x3;
	s15 =	sshll.u32 s15, $0x12  }
0x17: {  	[tilespmem:s13+$0x0 ss:$0x81] =	vst.msk $0xffff, v1;
	s11 =	sadd.s32 s11, s14;
	s31 =	sor.u32 $0x400, s15  }
0x18: {  	[hbm4b:s11+s31] =	stream.strided.scatter [tilespmem:s12], [sflag:$0x2], $0x2000, s8, s31, $0x20;
	[tilespmem:$0x8080] =	vst v63  }
.LBB1_5:
0x19: {  	s13 =	sadd.s32 $0x1000, s9  }
0x1a: {  	p2 =	sgt.s32 s13, $0xC7FFF  }
0x1b: {  	s13 =	smov.u32 @p2 s3;
	p2 =	sne.s32 s10, s7  }
.Ltmp1:
0x1c: {  	p1 =	slt.u32 s10, $0x2;
	(pc) =	sbr.rel @!p2 .LBB1_6-.Ltmp1, $4  }
0x1d: {  	s12 =	simm.s32 @!p1 $0x2  }
0x1e: {  	s14 =	sadd.s32 $0x1, s10;
	_ =	swait.ge @!p1 [sflag:s12], $0x2000  }
0x1f: {  	s11 =	smov.u32 s9;
	p0 =	por !p0, !p0;
	[sflag:s12] =	ssyncset.done @!p1 $0x0  }
0x20: {  	s10 =	smov.u32 s14;
	s9 =	smov.u32 s13;
	[sflag:s12] =	ssyncadd.s32 @!p1 $0xFFFFE000  }
.LBB1_1:
0x21: {  	p1 =	sge.u32 s10, s6  }
0x22: {  	s12 =	sand.u32 @!p1 $0x1FFFFFF, s9  }
0x23: {  	s13 =	smulhi.u32 @!p1 $0x147AE15, s12;
	_ =	sdelay $0x1  }
0x24: {  	s13 =	sshrl.u32 @!p1 s13, $0xC  }
0x25: {  	s13 =	smul.u32 @!p1 $0xC8000, s13;
	_ =	sdelay $0x1  }
0x26: {  	s31 =	sadd.s32 $0xFFFFFFFF, s10;
	s14 =	sxor.u32 @!p1 $0xFFFFFFFF, s10;
	s12 =	ssub.s32 @!p1 s12, s13  }
0x27: {  	s15 =	simm.s32 @!p1 $0x80;
	s14 =	sshll.u32 @!p1 s14, $0xD;
	s12 =	sshll.u32 @!p1 s12, $0x4  }
0x28: {  	s13 =	sand.u32 @!p1 $0x2000, s14;
	s14 =	simm.s32 @!p1 $0x40;
	s12 =	sadd.s32 @!p1 s4, s12  }
0x29: {  	[tilespmem:s13], [sflag:$0x1] =	stream.strided.gather @!p1 [hbm4b:s12+s14], $0x2000, s15, s14, $0x38;
	[tilespmem:$0x8080] =	vst v63  }
0x2a: {  	p1 =	sge.u32 s31, s6  }
.Ltmp2:
0x2b: {  	_ = 	snop;
	(pc) =	sbr.rel @p1 .LBB1_5-.Ltmp2, $1  }
0x2c: {  	_ =	sdelay $0x3  }
0x2d: {  	s12 =	simm.s32 $0x1  }
0x2e: {  	_ =	swait.ge [sflag:s5], $0x2000;
	s12 =	simm.s32 @!p0 $0x0  }
0x2f: {  	[sflag:s5] =	ssyncset.done $0x0;
	s13 =	sshll.u32 s12, $0xD  }
0x30: {  	[sflag:s5] =	ssyncadd.s32 $0xFFFFE000;
	s16 =	sor.u32 $0x20, s13  }
0x31: {  	s12 =	smul.u32 $0x8100, s12;
	v3 =	vld [tilespmem:s16+$0x10]  }
0x32: {  	s30 =	sand.u32 $0x1, s10;
	v2 =	vld [tilespmem:s16+$0xFFFFFFF0]  }
0x33: {  	s13 =	smul.u32 $0x8100, s30;
	s12 =	sshrl.u32 s12, $0x2;
	v0 =	vld [tilespmem:s16+$0x0]  }
0x34: {  	v1 =	vld [tilespmem:s16+$0xFFFFFFE0];
	s14 =	sor.u32 $0x4000, s12  }
0x35: {  	s31 =	sshrl.u32 s13, $0x2;
	s13 =	sadd.s32 $0x0, s14  }
0x36: {  	s15 =	simm.s32 $0x4;
	s16 =	sadd.s32 $0x40, s16;
	s12 =	sor.u32 $0x4000, s31;
	[tilespmem:s13+$0x1830 ss:$0x81] =	vst.msk $0xffff, v3  }
.LBB1_3:
0x37: {  	v3 =	vld [tilespmem:s16+$0x10];
	p1 =	sne.s32 s15, $0x1FC;
	[tilespmem:s13+$0x810 ss:$0x81] =	vst.msk $0xffff, v2;
	s17 =	smov.u32 s15;
	s15 =	sadd.s32 $0x4, s15  }
.Ltmp3:
0x38: {  	v2 =	vld [tilespmem:s16+$0xFFFFFFF0];
	[tilespmem:s13+$0x1020 ss:$0x81] =	vst.msk $0xffff, v0;
	(pc) =	sbr.rel @p1 .LBB1_3-.Ltmp3, $4  }
0x39: {  	v0 =	vld [tilespmem:s16+$0x0];
	[tilespmem:s13+$0x0 ss:$0x81] =	vst.msk $0xffff, v1  }
0x3a: {  	s13 =	sshra.s32 s17, $0x2;
	v1 =	vld [tilespmem:s16+$0xFFFFFFE0]  }
0x3b: {  	s13 =	sadd.s32 s13, s14  }
0x3c: {  	s16 =	sadd.s32 $0x40, s16;
	[tilespmem:s13+$0x1830 ss:$0x81] =	vst.msk $0xffff, v3  }
.Ltmp4:
0x3d: {  	_ = 	snop;
	(pc) =	sbr.rel .LBB1_4-.Ltmp4, $1  }
0x3e: {  	_ =	sdelay $0x3  }
.LBB1_6:
0x3f: {  	_ =	sfence.sel $0x180000  }
0x40: {  	s2 =	simm.s32 $0x1;
	[bflag:$0x0] =	sbarrier.arrive $0xFFFF  }
0x41: {  	s31 =	simm.s32 $0x2;
	[sflag:s2] =	ssyncpa.u1 $0x1  }
0x42: {  	[sflag:s31] =	ssyncpa.u1 $0x1  }
0x43: {  	p0 =	sne.s32 s0, $0x0;
	_ =	strace $0x9000004A  }
0x44: {  	s0 =	sadd.s32 @!p0 $0x100000, s1;
	[bflag:$0x2] =	sbarrier.arrive $0xFFFF  }
0x45: {  	[sflag:s0] =	ssyncadd.tile.s32 @!p0 $0x1;
	_ =	shalt  }
.Lfunc_end1:
_tile_overlayer_lowered:
.L_overlay_start_2:
0x46: {  	(tag) =	ssettag $0x2  }
0x47: {  	s0 =	rddreg [dreg:$0x0];
	s2 =	stileid.u32  }
0x48: {  	s1 =	rddreg [dreg:$0x1];
	p0 =	sne.s32 s2, $0x0  }
0x49: {  	s3 =	rddreg [dreg:$0x2];
	[bflag:$0x3] =	sbarrier.arrive $0xFFFF;
	s2 =	simm.s32 @!p0 $0x1C01  }
0x4a: {  	[timem:s3], [sflag:s2] =	dma.local @!p0 [hbm:s0], s1  }
0x4b: {  	s0 =	simm.s32 @!p0 $0x1  }
0x4c: {  	_ =	swait.ge @!p0 [sflag:s0], s1  }
0x4d: {  	s1 =	ssub.s32 @!p0 $0x0, s1;
	[sflag:s0] =	ssyncset.done @!p0 $0x0  }
0x4e: {  	[sflag:s0] =	ssyncadd.s32 @!p0 s1  }
0x4f: {  	[bflag:$0x3] =	sbarrier.arrive $0xFFFF  }
0x50: {  	_ =	shalt  }

</sc_bundles>
